<compile_context>
chip_gen: v7x
topology: tpu7x:2x2x1
jax: 0.10.2.dev20260603
libtpu: 0.0.44.dev20260713+nightly
codegen_flags: <defaults>
</compile_context>

<pallas_src>
import functools

import jax
import jax.numpy as jnp
from jax import lax
from jax.experimental import pallas as pl
from jax.experimental.pallas import tpu as pltpu
from jax.experimental.pallas import tpu_sc as plsc

_BATCH = 16384
_NIDX = 3 * _BATCH
_NW = 32
_BPW = _NIDX // _NW

_MIN_NORM = 1e-15
_TEMPERATURE = 0.05
_MAX_SCALE = 0.999

_NN = 1000000
_SPLIT_C = 524288
_SPLIT_G = 2


def _split_body(emb_ref, ids_ref, ox_ref, oy_ref, oi_ref):
    ox_ref[...] = emb_ref[0]
    oy_ref[...] = emb_ref[1]

    @pl.when(pl.program_id(0) == 0)
    def _():
        oi_ref[...] = ids_ref[...].reshape(_NIDX)


def _split_table(embt, idst):
    return pl.pallas_call(
        _split_body,
        grid=(_SPLIT_G,),
        in_specs=[pl.BlockSpec((2, _SPLIT_C), lambda i: (0, i)),
                  pl.BlockSpec((3, _BATCH), lambda i: (0, 0))],
        out_specs=[pl.BlockSpec((_SPLIT_C,), lambda i: (i,)),
                   pl.BlockSpec((_SPLIT_C,), lambda i: (i,)),
                   pl.BlockSpec((_NIDX,), lambda i: (0,))],
        out_shape=[jax.ShapeDtypeStruct((_NN,), jnp.float32),
                   jax.ShapeDtypeStruct((_NN,), jnp.float32),
                   jax.ShapeDtypeStruct((_NIDX,), jnp.int32)],
    )(embt, idst)


def _sc_gather(ext, eyt, ids_flat):
    mesh = plsc.VectorSubcoreMesh(core_axis_name="c", subcore_axis_name="s")
    o1 = jax.ShapeDtypeStruct((_NIDX,), jnp.float32)

    @functools.partial(
        pl.kernel,
        out_type=(o1, o1),
        mesh=mesh,
        scratch_types=[
            pltpu.VMEM((_BPW,), jnp.int32),
            pltpu.VMEM((_BPW,), jnp.float32),
            pltpu.VMEM((_BPW,), jnp.float32),
            pltpu.SemaphoreType.DMA,
            pltpu.SemaphoreType.DMA,
            pltpu.SemaphoreType.DMA,
            pltpu.SemaphoreType.DMA,
        ],
    )
    def gather_k(ext_hbm, eyt_hbm, ids_hbm, outx_hbm, outy_hbm,
                 idx_v, rx_v, ry_v, semi, semx, semy, semw):
        wid = lax.axis_index("s") * 2 + lax.axis_index("c")
        base = wid * _BPW
        h = _BPW // 2
        s0, s1 = pl.ds(base, h), pl.ds(base + h, h)
        l0, l1 = pl.ds(0, h), pl.ds(h, h)
        i0 = pltpu.async_copy(ids_hbm.at[s0], idx_v.at[l0], semi)
        i1 = pltpu.async_copy(ids_hbm.at[s1], idx_v.at[l1], semi)
        i0.wait()
        gx0 = pltpu.async_copy(ext_hbm.at[idx_v.at[l0]], rx_v.at[l0], semx)
        gy0 = pltpu.async_copy(eyt_hbm.at[idx_v.at[l0]], ry_v.at[l0], semy)
        i1.wait()
        gx1 = pltpu.async_copy(ext_hbm.at[idx_v.at[l1]], rx_v.at[l1], semx)
        gy1 = pltpu.async_copy(eyt_hbm.at[idx_v.at[l1]], ry_v.at[l1], semy)
        gx0.wait()
        wx0 = pltpu.async_copy(rx_v.at[l0], outx_hbm.at[s0], semw)
        gy0.wait()
        wy0 = pltpu.async_copy(ry_v.at[l0], outy_hbm.at[s0], semw)
        gx1.wait()
        wx1 = pltpu.async_copy(rx_v.at[l1], outx_hbm.at[s1], semw)
        gy1.wait()
        wy1 = pltpu.async_copy(ry_v.at[l1], outy_hbm.at[s1], semw)
        wx0.wait()
        wy0.wait()
        wx1.wait()
        wy1.wait()

    return gather_k(ext, eyt, ids_flat)


def _lca_dist(ax, ay, bx, by):
    a2 = ax * ax + ay * ay
    rx = ax / a2
    ry = ay / a2
    r2 = rx * rx + ry * ry - 1.0
    ux = bx - rx
    uy = by - ry
    u2 = ux * ux + uy * uy
    f = r2 / u2
    yix = f * ux + rx
    yiy = f * uy + ry
    xta = ax * yix + ay * yiy
    na = jnp.maximum(yix * yix + yiy * yiy, _MIN_NORM)
    g = 2.0 * xta / na
    ox = g * yix - ax
    oy = g * yiy - ay
    vx = ox - rx
    vy = oy - ry
    v2 = vx * vx + vy * vy
    h = r2 / v2
    wx = h * vx + rx
    wy = h * vy + ry
    w2 = wx * wx + wy * wy
    denom = 1.0 + jnp.sqrt(1.0 - w2)
    px = wx / denom
    py = wy / denom
    pn = jnp.sqrt(px * px + py * py)
    return jnp.log((1.0 + pn) / (1.0 - pn))


def _tc_body(scale_ref, ex_ref, ey_ref, sim_ref, o_ref):
    s = jnp.clip(scale_ref[0, 0], 0.01, _MAX_SCALE)

    def norm_xy(i):
        x = ex_ref[i]
        y = ey_ref[i]
        n = jnp.maximum(jnp.sqrt(x * x + y * y), 1e-12)
        fac = s / n
        return x * fac, y * fac

    e1x, e1y = norm_xy(0)
    e2x, e2y = norm_xy(1)
    e3x, e3y = norm_xy(2)

    d12 = _lca_dist(e1x, e1y, e2x, e2y)
    d13 = _lca_dist(e1x, e1y, e3x, e3y)
    d23 = _lca_dist(e2x, e2y, e3x, e3y)

    inv_t = 1.0 / _TEMPERATURE
    z1 = d12 * inv_t
    z2 = d13 * inv_t
    z3 = d23 * inv_t
    m = jnp.maximum(jnp.maximum(z1, z2), z3)
    q1 = jnp.exp(z1 - m)
    q2 = jnp.exp(z2 - m)
    q3 = jnp.exp(z3 - m)
    qs = q1 + q2 + q3

    s1 = sim_ref[0]
    s2 = sim_ref[1]
    s3 = sim_ref[2]
    w_ord = (s1 * q1 + s2 * q2 + s3 * q3) / qs
    total = (s1 + s2 + s3) - w_ord
    o_ref[0, 0] = jnp.sum(total) * (1.0 / _BATCH)


def _tc_loss(scale, ex3, ey3, sim3):
    return pl.pallas_call(
        _tc_body,
        out_shape=jax.ShapeDtypeStruct((1, 1), jnp.float32),
        in_specs=[pl.BlockSpec(memory_space=pltpu.SMEM)]
        + [pl.BlockSpec(memory_space=pltpu.VMEM)] * 3,
        out_specs=pl.BlockSpec(memory_space=pltpu.SMEM),
    )(scale, ex3, ey3, sim3)


def kernel(triple_ids, similarities, embeddings, scale):
    ext, eyt, ids_flat = _split_table(embeddings.T, triple_ids.T)
    ex, ey = _sc_gather(ext, eyt, ids_flat)
    ex3 = ex.reshape(3, 128, 128)
    ey3 = ey.reshape(3, 128, 128)
    sim3 = similarities.T.reshape(3, 128, 128)
    out = _tc_loss(scale.reshape(1, 1), ex3, ey3, sim3)
    return out[0, 0]

# --- scband reference (transcript-rebuilt; emitter-appended) ---
"""Pipeline reference for scband-hhc-35553739276550 (READ-ONLY COPY).

The authoritative reference and input builder live on the scoring server;
editing this copy changes nothing except your own understanding.
"""

import jax, jax.numpy as jnp
import numpy as np

MIN_NORM = 1e-15
BALL_EPS = 4e-3  # float32 ball epsilon from HypHC
TEMPERATURE = 0.05
MAX_SCALE = 0.999
N_NODES = 1000000
RANK = 2
BATCH = 16384
INIT_SIZE = 0.001


def project(x):
    norm = jnp.maximum(jnp.linalg.norm(x, axis=-1, keepdims=True), MIN_NORM)
    maxnorm = 1.0 - BALL_EPS
    cond = norm > maxnorm
    projected = x / norm * maxnorm
    return jnp.where(cond, projected, x)


def reflection_center(mu):
    return mu / jnp.sum(mu ** 2, axis=-1, keepdims=True)


def isometric_transform(a, x):
    r2 = jnp.sum(a ** 2, axis=-1, keepdims=True) - 1.0
    u = x - a
    return r2 / jnp.sum(u ** 2, axis=-1, keepdims=True) * u + a


def euc_reflection(x, a):
    xTa = jnp.sum(x * a, axis=-1, keepdims=True)
    norm_a_sq = jnp.maximum(jnp.sum(a ** 2, axis=-1, keepdims=True), MIN_NORM)
    proj = xTa * a / norm_a_sq
    return 2.0 * proj - x


def _halve(x):
    return x / (1.0 + jnp.sqrt(1.0 - jnp.sum(x ** 2, axis=-1, keepdims=True)))


def hyp_dist_o(x):
    x_norm = jnp.linalg.norm(x, axis=-1, keepdims=True)
    return 2.0 * jnp.arctanh(x_norm)


def hyp_lca(x, y):
    # projection of the origin on the geodesic between x and y (distance only)
    r = reflection_center(x)
    y_inv = isometric_transform(r, y)
    o_inv = x  # image of origin under the inversion
    o_inv_ref = euc_reflection(o_inv, y_inv)
    o_ref = isometric_transform(r, o_inv_ref)
    proj = _halve(o_ref)
    return hyp_dist_o(proj)


def normalize_embeddings(emb, scale):
    # F.normalize(emb, p=2, dim=1) * scale.clamp_min(0.01).clamp_max(max_scale)
    norm = jnp.maximum(jnp.linalg.norm(emb, axis=1, keepdims=True), 1e-12)
    unit = emb / norm
    s = jnp.clip(scale, 0.01, MAX_SCALE)
    return unit * s


def setup_inputs(seed: int = 0) -> dict:
    key = jax.random.key(seed)
    k1, k2, k3 = jax.random.split(key, 3)
    triple_ids = jax.random.randint(k1, (BATCH, 3), 0, N_NODES, dtype=jnp.int64 if jax.config.jax_enable_x64 else jnp.int32).astype(jnp.int32)
    similarities = jax.random.uniform(k2, (BATCH, 3), dtype=jnp.float32)
    scale = jnp.array([INIT_SIZE], dtype=jnp.float32)
    table = project(INIT_SIZE * (2.0 * jax.random.uniform(k3, (N_NODES, RANK), dtype=jnp.float32) - 1.0))
    return {"triple_ids": triple_ids, "similarities": similarities, "embeddings": table, "scale": scale}


def reference(triple_ids, similarities, embeddings, scale):
    e1 = jnp.take(embeddings, triple_ids[:, 0], axis=0)
    e2 = jnp.take(embeddings, triple_ids[:, 1], axis=0)
    e3 = jnp.take(embeddings, triple_ids[:, 2], axis=0)
    e1 = normalize_embeddings(e1, scale)
    e2 = normalize_embeddings(e2, scale)
    e3 = normalize_embeddings(e3, scale)
    d_12 = hyp_lca(e1, e2)
    d_13 = hyp_lca(e1, e3)
    d_23 = hyp_lca(e2, e3)
    lca_norm = jnp.concatenate([d_12, d_13, d_23], axis=-1)
    weights = jax.nn.softmax(lca_norm / TEMPERATURE, axis=-1)
    w_ord = jnp.sum(similarities * weights, axis=-1, keepdims=True)
    total = jnp.sum(similarities, axis=-1, keepdims=True) - w_ord
    return jnp.mean(total)

if __name__ == "__main__":
    import jax
    _d = setup_inputs()
    print(jax.jit(kernel)(*tuple(_d.values())))

</pallas_src>

<mosaic_0001>
#map = affine_map<(d0, d1) -> (0)>
module attributes {stable_mosaic.version = 14 : i64} {
  func.func @gather_k(%arg0: i32, %arg1: i32, %arg2: memref<1000000xf32, #tpu.memory_space<hbm>>, %arg3: memref<1000000xf32, #tpu.memory_space<hbm>>, %arg4: memref<49152xi32, #tpu.memory_space<hbm>>, %arg5: memref<49152xf32, #tpu.memory_space<hbm>>, %arg6: memref<49152xf32, #tpu.memory_space<hbm>>, %arg7: memref<1536xi32, #tpu.memory_space<vmem>>, %arg8: memref<1536xf32, #tpu.memory_space<vmem>>, %arg9: memref<1536xf32, #tpu.memory_space<vmem>>, %arg10: memref<!tpu.dma_semaphore, #tpu.memory_space<semaphore_mem>>, %arg11: memref<!tpu.dma_semaphore, #tpu.memory_space<semaphore_mem>>, %arg12: memref<!tpu.dma_semaphore, #tpu.memory_space<semaphore_mem>>, %arg13: memref<!tpu.dma_semaphore, #tpu.memory_space<semaphore_mem>>) attributes {dimension_semantics = [#tpu.dimension_semantics<core_parallel>, #tpu.dimension_semantics<subcore_parallel>], iteration_bounds = array<i64: 2, 16>, scalar_prefetch = 0 : i64, scratch_operands = 7 : i64, tpu.core_type = #tpu.core_type<sc_vector_subcore>, window_params = [{transform_indices = #map}, {transform_indices = #map}, {transform_indices = #map}, {transform_indices = #map}, {transform_indices = #map}]} {
    %mul3A = arith.constant 2 : i32
    %mul3A_0 = arith.muli %arg1, %mul3A : i32
    %add3A = arith.addi %mul3A_0, %arg0 : i32
    %mul3A_1 = arith.constant 1536 : i32
    %mul3A_2 = arith.muli %add3A, %mul3A_1 : i32
    %add3A_3 = arith.constant 768 : i32
    %add3A_4 = arith.addi %mul3A_2, %add3A_3 : i32
    %dma_start3A = arith.constant 0 : i32
    %dma_start3A_5 = tpu.memref_slice %arg7[%dma_start3A] : memref<1536xi32, #tpu.memory_space<vmem>> -> memref<768xi32, #tpu.memory_space<vmem>>
    %dma_start3A_6 = tpu.memref_slice %arg4[%mul3A_2] : memref<49152xi32, #tpu.memory_space<hbm>> -> memref<768xi32, #tpu.memory_space<hbm>>
    %dma_start3A_7 = arith.constant 0 : i32
    %dma_start3A_8 = tpu.memref_slice %arg7[%dma_start3A_7] : memref<1536xi32, #tpu.memory_space<vmem>> -> memref<768xi32, #tpu.memory_space<vmem>>
    %dma_start3A_9 = tpu.memref_slice %arg4[%mul3A_2] : memref<49152xi32, #tpu.memory_space<hbm>> -> memref<768xi32, #tpu.memory_space<hbm>>
    tpu.enqueue_dma source(%dma_start3A_9 : memref<768xi32, #tpu.memory_space<hbm>>) target(%dma_start3A_8 : memref<768xi32, #tpu.memory_space<vmem>>) target_semaphore(%arg10 : memref<!tpu.dma_semaphore, #tpu.memory_space<semaphore_mem>>)
    %dma_start3A_10 = arith.constant 768 : i32
    %dma_start3A_11 = tpu.memref_slice %arg7[%dma_start3A_10] : memref<1536xi32, #tpu.memory_space<vmem>> -> memref<768xi32, #tpu.memory_space<vmem>>
    %dma_start3A_12 = tpu.memref_slice %arg4[%add3A_4] : memref<49152xi32, #tpu.memory_space<hbm>> -> memref<768xi32, #tpu.memory_space<hbm>>
    %dma_start3A_13 = arith.constant 768 : i32
    %dma_start3A_14 = tpu.memref_slice %arg7[%dma_start3A_13] : memref<1536xi32, #tpu.memory_space<vmem>> -> memref<768xi32, #tpu.memory_space<vmem>>
    %dma_start3A_15 = tpu.memref_slice %arg4[%add3A_4] : memref<49152xi32, #tpu.memory_space<hbm>> -> memref<768xi32, #tpu.memory_space<hbm>>
    tpu.enqueue_dma source(%dma_start3A_15 : memref<768xi32, #tpu.memory_space<hbm>>) target(%dma_start3A_14 : memref<768xi32, #tpu.memory_space<vmem>>) target_semaphore(%arg10 : memref<!tpu.dma_semaphore, #tpu.memory_space<semaphore_mem>>)
    %dma_wait3A = arith.constant 0 : i32
    %dma_wait3A_16 = tpu.memref_slice %arg7[%dma_wait3A] : memref<1536xi32, #tpu.memory_space<vmem>> -> memref<768xi32, #tpu.memory_space<vmem>>
    %dma_wait3A_17 = tpu.memref_slice %arg4[%mul3A_2] : memref<49152xi32, #tpu.memory_space<hbm>> -> memref<768xi32, #tpu.memory_space<hbm>>
    %dma_wait3A_18 = arith.constant 0 : i32
    %dma_wait3A_19 = tpu.memref_slice %arg7[%dma_wait3A_18] : memref<1536xi32, #tpu.memory_space<vmem>> -> memref<768xi32, #tpu.memory_space<vmem>>
    %dma_wait3A_20 = tpu.memref_slice %arg4[%mul3A_2] : memref<49152xi32, #tpu.memory_space<hbm>> -> memref<768xi32, #tpu.memory_space<hbm>>
    tpu.wait_dma2 semaphore(%arg10 : memref<!tpu.dma_semaphore, #tpu.memory_space<semaphore_mem>>) src(%dma_wait3A_20 : memref<768xi32, #tpu.memory_space<hbm>>) dst(%dma_wait3A_19 : memref<768xi32, #tpu.memory_space<vmem>>)
    %dma_start3A_21 = arith.constant 0 : i32
    %dma_start3A_22 = tpu.memref_slice %arg8[%dma_start3A_21] : memref<1536xf32, #tpu.memory_space<vmem>> -> memref<768xf32, #tpu.memory_space<vmem>>
    %dma_start3A_23 = arith.constant 0 : i32
    %dma_start3A_24 = tpu.memref_slice %arg7[%dma_start3A_23] : memref<1536xi32, #tpu.memory_space<vmem>> -> memref<768xi32, #tpu.memory_space<vmem>>
    %dma_start3A_25 = arith.constant 0 : i32
    %dma_start3A_26 = tpu.memref_slice %arg2[%dma_start3A_25] : memref<1000000xf32, #tpu.memory_space<hbm>> -> memref<1000000xf32, #tpu.memory_space<hbm>>
    tpu.enqueue_indirect_dma source(%dma_start3A_26 : memref<1000000xf32, #tpu.memory_space<hbm>>) target(%dma_start3A_22 : memref<768xf32, #tpu.memory_space<vmem>>) offsets(%dma_start3A_24 : memref<768xi32, #tpu.memory_space<vmem>>) semaphore(%arg11 : memref<!tpu.dma_semaphore, #tpu.memory_space<semaphore_mem>>)
    %dma_start3A_27 = arith.constant 0 : i32
    %dma_start3A_28 = tpu.memref_slice %arg9[%dma_start3A_27] : memref<1536xf32, #tpu.memory_space<vmem>> -> memref<768xf32, #tpu.memory_space<vmem>>
    %dma_start3A_29 = arith.constant 0 : i32
    %dma_start3A_30 = tpu.memref_slice %arg7[%dma_start3A_29] : memref<1536xi32, #tpu.memory_space<vmem>> -> memref<768xi32, #tpu.memory_space<vmem>>
    %dma_start3A_31 = arith.constant 0 : i32
    %dma_start3A_32 = tpu.memref_slice %arg3[%dma_start3A_31] : memref<1000000xf32, #tpu.memory_space<hbm>> -> memref<1000000xf32, #tpu.memory_space<hbm>>
    tpu.enqueue_indirect_dma source(%dma_start3A_32 : memref<1000000xf32, #tpu.memory_space<hbm>>) target(%dma_start3A_28 : memref<768xf32, #tpu.memory_space<vmem>>) offsets(%dma_start3A_30 : memref<768xi32, #tpu.memory_space<vmem>>) semaphore(%arg12 : memref<!tpu.dma_semaphore, #tpu.memory_space<semaphore_mem>>)
    %dma_wait3A_33 = arith.constant 768 : i32
    %dma_wait3A_34 = tpu.memref_slice %arg7[%dma_wait3A_33] : memref<1536xi32, #tpu.memory_space<vmem>> -> memref<768xi32, #tpu.memory_space<vmem>>
    %dma_wait3A_35 = tpu.memref_slice %arg4[%add3A_4] : memref<49152xi32, #tpu.memory_space<hbm>> -> memref<768xi32, #tpu.memory_space<hbm>>
    %dma_wait3A_36 = arith.constant 768 : i32
    %dma_wait3A_37 = tpu.memref_slice %arg7[%dma_wait3A_36] : memref<1536xi32, #tpu.memory_space<vmem>> -> memref<768xi32, #tpu.memory_space<vmem>>
    %dma_wait3A_38 = tpu.memref_slice %arg4[%add3A_4] : memref<49152xi32, #tpu.memory_space<hbm>> -> memref<768xi32, #tpu.memory_space<hbm>>
    tpu.wait_dma2 semaphore(%arg10 : memref<!tpu.dma_semaphore, #tpu.memory_space<semaphore_mem>>) src(%dma_wait3A_38 : memref<768xi32, #tpu.memory_space<hbm>>) dst(%dma_wait3A_37 : memref<768xi32, #tpu.memory_space<vmem>>)
    %dma_start3A_39 = arith.constant 768 : i32
    %dma_start3A_40 = tpu.memref_slice %arg8[%dma_start3A_39] : memref<1536xf32, #tpu.memory_space<vmem>> -> memref<768xf32, #tpu.memory_space<vmem>>
    %dma_start3A_41 = arith.constant 768 : i32
    %dma_start3A_42 = tpu.memref_slice %arg7[%dma_start3A_41] : memref<1536xi32, #tpu.memory_space<vmem>> -> memref<768xi32, #tpu.memory_space<vmem>>
    %dma_start3A_43 = arith.constant 0 : i32
    %dma_start3A_44 = tpu.memref_slice %arg2[%dma_start3A_43] : memref<1000000xf32, #tpu.memory_space<hbm>> -> memref<1000000xf32, #tpu.memory_space<hbm>>
    tpu.enqueue_indirect_dma source(%dma_start3A_44 : memref<1000000xf32, #tpu.memory_space<hbm>>) target(%dma_start3A_40 : memref<768xf32, #tpu.memory_space<vmem>>) offsets(%dma_start3A_42 : memref<768xi32, #tpu.memory_space<vmem>>) semaphore(%arg11 : memref<!tpu.dma_semaphore, #tpu.memory_space<semaphore_mem>>)
    %dma_start3A_45 = arith.constant 768 : i32
    %dma_start3A_46 = tpu.memref_slice %arg9[%dma_start3A_45] : memref<1536xf32, #tpu.memory_space<vmem>> -> memref<768xf32, #tpu.memory_space<vmem>>
    %dma_start3A_47 = arith.constant 768 : i32
    %dma_start3A_48 = tpu.memref_slice %arg7[%dma_start3A_47] : memref<1536xi32, #tpu.memory_space<vmem>> -> memref<768xi32, #tpu.memory_space<vmem>>
    %dma_start3A_49 = arith.constant 0 : i32
    %dma_start3A_50 = tpu.memref_slice %arg3[%dma_start3A_49] : memref<1000000xf32, #tpu.memory_space<hbm>> -> memref<1000000xf32, #tpu.memory_space<hbm>>
    tpu.enqueue_indirect_dma source(%dma_start3A_50 : memref<1000000xf32, #tpu.memory_space<hbm>>) target(%dma_start3A_46 : memref<768xf32, #tpu.memory_space<vmem>>) offsets(%dma_start3A_48 : memref<768xi32, #tpu.memory_space<vmem>>) semaphore(%arg12 : memref<!tpu.dma_semaphore, #tpu.memory_space<semaphore_mem>>)
    %dma_wait3A_51 = arith.constant 0 : i32
    %dma_wait3A_52 = tpu.memref_slice %arg8[%dma_wait3A_51] : memref<1536xf32, #tpu.memory_space<vmem>> -> memref<768xf32, #tpu.memory_space<vmem>>
    %dma_wait3A_53 = arith.constant 0 : i32
    %dma_wait3A_54 = tpu.memref_slice %arg7[%dma_wait3A_53] : memref<1536xi32, #tpu.memory_space<vmem>> -> memref<768xi32, #tpu.memory_space<vmem>>
    %dma_wait3A_55 = arith.constant 0 : i32
    %dma_wait3A_56 = tpu.memref_slice %arg2[%dma_wait3A_55] : memref<1000000xf32, #tpu.memory_space<hbm>> -> memref<1000000xf32, #tpu.memory_space<hbm>>
    tpu.wait_indirect_dma semaphore(%arg11 : memref<!tpu.dma_semaphore, #tpu.memory_space<semaphore_mem>>) src(%dma_wait3A_56 : memref<1000000xf32, #tpu.memory_space<hbm>>) dst(%dma_wait3A_52 : memref<768xf32, #tpu.memory_space<vmem>>)
    %dma_start3A_57 = arith.constant 0 : i32
    %dma_start3A_58 = tpu.memref_slice %arg8[%dma_start3A_57] : memref<1536xf32, #tpu.memory_space<vmem>> -> memref<768xf32, #tpu.memory_space<vmem>>
    %dma_start3A_59 = tpu.memref_slice %arg5[%mul3A_2] : memref<49152xf32, #tpu.memory_space<hbm>> -> memref<768xf32, #tpu.memory_space<hbm>>
    %dma_start3A_60 = tpu.memref_slice %arg5[%mul3A_2] : memref<49152xf32, #tpu.memory_space<hbm>> -> memref<768xf32, #tpu.memory_space<hbm>>
    %dma_start3A_61 = arith.constant 0 : i32
    %dma_start3A_62 = tpu.memref_slice %arg8[%dma_start3A_61] : memref<1536xf32, #tpu.memory_space<vmem>> -> memref<768xf32, #tpu.memory_space<vmem>>
    tpu.enqueue_dma source(%dma_start3A_62 : memref<768xf32, #tpu.memory_space<vmem>>) target(%dma_start3A_60 : memref<768xf32, #tpu.memory_space<hbm>>) target_semaphore(%arg13 : memref<!tpu.dma_semaphore, #tpu.memory_space<semaphore_mem>>)
    %dma_wait3A_63 = arith.constant 0 : i32
    %dma_wait3A_64 = tpu.memref_slice %arg9[%dma_wait3A_63] : memref<1536xf32, #tpu.memory_space<vmem>> -> memref<768xf32, #tpu.memory_space<vmem>>
    %dma_wait3A_65 = arith.constant 0 : i32
    %dma_wait3A_66 = tpu.memref_slice %arg7[%dma_wait3A_65] : memref<1536xi32, #tpu.memory_space<vmem>> -> memref<768xi32, #tpu.memory_space<vmem>>
    %dma_wait3A_67 = arith.constant 0 : i32
    %dma_wait3A_68 = tpu.memref_slice %arg3[%dma_wait3A_67] : memref<1000000xf32, #tpu.memory_space<hbm>> -> memref<1000000xf32, #tpu.memory_space<hbm>>
    tpu.wait_indirect_dma semaphore(%arg12 : memref<!tpu.dma_semaphore, #tpu.memory_space<semaphore_mem>>) src(%dma_wait3A_68 : memref<1000000xf32, #tpu.memory_space<hbm>>) dst(%dma_wait3A_64 : memref<768xf32, #tpu.memory_space<vmem>>)
    %dma_start3A_69 = arith.constant 0 : i32
    %dma_start3A_70 = tpu.memref_slice %arg9[%dma_start3A_69] : memref<1536xf32, #tpu.memory_space<vmem>> -> memref<768xf32, #tpu.memory_space<vmem>>
    %dma_start3A_71 = tpu.memref_slice %arg6[%mul3A_2] : memref<49152xf32, #tpu.memory_space<hbm>> -> memref<768xf32, #tpu.memory_space<hbm>>
    %dma_start3A_72 = tpu.memref_slice %arg6[%mul3A_2] : memref<49152xf32, #tpu.memory_space<hbm>> -> memref<768xf32, #tpu.memory_space<hbm>>
    %dma_start3A_73 = arith.constant 0 : i32
    %dma_start3A_74 = tpu.memref_slice %arg9[%dma_start3A_73] : memref<1536xf32, #tpu.memory_space<vmem>> -> memref<768xf32, #tpu.memory_space<vmem>>
    tpu.enqueue_dma source(%dma_start3A_74 : memref<768xf32, #tpu.memory_space<vmem>>) target(%dma_start3A_72 : memref<768xf32, #tpu.memory_space<hbm>>) target_semaphore(%arg13 : memref<!tpu.dma_semaphore, #tpu.memory_space<semaphore_mem>>)
    %dma_wait3A_75 = arith.constant 768 : i32
    %dma_wait3A_76 = tpu.memref_slice %arg8[%dma_wait3A_75] : memref<1536xf32, #tpu.memory_space<vmem>> -> memref<768xf32, #tpu.memory_space<vmem>>
    %dma_wait3A_77 = arith.constant 768 : i32
    %dma_wait3A_78 = tpu.memref_slice %arg7[%dma_wait3A_77] : memref<1536xi32, #tpu.memory_space<vmem>> -> memref<768xi32, #tpu.memory_space<vmem>>
    %dma_wait3A_79 = arith.constant 0 : i32
    %dma_wait3A_80 = tpu.memref_slice %arg2[%dma_wait3A_79] : memref<1000000xf32, #tpu.memory_space<hbm>> -> memref<1000000xf32, #tpu.memory_space<hbm>>
    tpu.wait_indirect_dma semaphore(%arg11 : memref<!tpu.dma_semaphore, #tpu.memory_space<semaphore_mem>>) src(%dma_wait3A_80 : memref<1000000xf32, #tpu.memory_space<hbm>>) dst(%dma_wait3A_76 : memref<768xf32, #tpu.memory_space<vmem>>)
    %dma_start3A_81 = arith.constant 768 : i32
    %dma_start3A_82 = tpu.memref_slice %arg8[%dma_start3A_81] : memref<1536xf32, #tpu.memory_space<vmem>> -> memref<768xf32, #tpu.memory_space<vmem>>
    %dma_start3A_83 = tpu.memref_slice %arg5[%add3A_4] : memref<49152xf32, #tpu.memory_space<hbm>> -> memref<768xf32, #tpu.memory_space<hbm>>
    %dma_start3A_84 = tpu.memref_slice %arg5[%add3A_4] : memref<49152xf32, #tpu.memory_space<hbm>> -> memref<768xf32, #tpu.memory_space<hbm>>
    %dma_start3A_85 = arith.constant 768 : i32
    %dma_start3A_86 = tpu.memref_slice %arg8[%dma_start3A_85] : memref<1536xf32, #tpu.memory_space<vmem>> -> memref<768xf32, #tpu.memory_space<vmem>>
    tpu.enqueue_dma source(%dma_start3A_86 : memref<768xf32, #tpu.memory_space<vmem>>) target(%dma_start3A_84 : memref<768xf32, #tpu.memory_space<hbm>>) target_semaphore(%arg13 : memref<!tpu.dma_semaphore, #tpu.memory_space<semaphore_mem>>)
    %dma_wait3A_87 = arith.constant 768 : i32
    %dma_wait3A_88 = tpu.memref_slice %arg9[%dma_wait3A_87] : memref<1536xf32, #tpu.memory_space<vmem>> -> memref<768xf32, #tpu.memory_space<vmem>>
    %dma_wait3A_89 = arith.constant 768 : i32
    %dma_wait3A_90 = tpu.memref_slice %arg7[%dma_wait3A_89] : memref<1536xi32, #tpu.memory_space<vmem>> -> memref<768xi32, #tpu.memory_space<vmem>>
    %dma_wait3A_91 = arith.constant 0 : i32
    %dma_wait3A_92 = tpu.memref_slice %arg3[%dma_wait3A_91] : memref<1000000xf32, #tpu.memory_space<hbm>> -> memref<1000000xf32, #tpu.memory_space<hbm>>
    tpu.wait_indirect_dma semaphore(%arg12 : memref<!tpu.dma_semaphore, #tpu.memory_space<semaphore_mem>>) src(%dma_wait3A_92 : memref<1000000xf32, #tpu.memory_space<hbm>>) dst(%dma_wait3A_88 : memref<768xf32, #tpu.memory_space<vmem>>)
    %dma_start3A_93 = arith.constant 768 : i32
    %dma_start3A_94 = tpu.memref_slice %arg9[%dma_start3A_93] : memref<1536xf32, #tpu.memory_space<vmem>> -> memref<768xf32, #tpu.memory_space<vmem>>
    %dma_start3A_95 = tpu.memref_slice %arg6[%add3A_4] : memref<49152xf32, #tpu.memory_space<hbm>> -> memref<768xf32, #tpu.memory_space<hbm>>
    %dma_start3A_96 = tpu.memref_slice %arg6[%add3A_4] : memref<49152xf32, #tpu.memory_space<hbm>> -> memref<768xf32, #tpu.memory_space<hbm>>
    %dma_start3A_97 = arith.constant 768 : i32
    %dma_start3A_98 = tpu.memref_slice %arg9[%dma_start3A_97] : memref<1536xf32, #tpu.memory_space<vmem>> -> memref<768xf32, #tpu.memory_space<vmem>>
    tpu.enqueue_dma source(%dma_start3A_98 : memref<768xf32, #tpu.memory_space<vmem>>) target(%dma_start3A_96 : memref<768xf32, #tpu.memory_space<hbm>>) target_semaphore(%arg13 : memref<!tpu.dma_semaphore, #tpu.memory_space<semaphore_mem>>)
    %dma_wait3A_99 = arith.constant 0 : i32
    %dma_wait3A_100 = tpu.memref_slice %arg8[%dma_wait3A_99] : memref<1536xf32, #tpu.memory_space<vmem>> -> memref<768xf32, #tpu.memory_space<vmem>>
    %dma_wait3A_101 = tpu.memref_slice %arg5[%mul3A_2] : memref<49152xf32, #tpu.memory_space<hbm>> -> memref<768xf32, #tpu.memory_space<hbm>>
    %dma_wait3A_102 = tpu.memref_slice %arg5[%mul3A_2] : memref<49152xf32, #tpu.memory_space<hbm>> -> memref<768xf32, #tpu.memory_space<hbm>>
    %dma_wait3A_103 = arith.constant 0 : i32
    %dma_wait3A_104 = tpu.memref_slice %arg8[%dma_wait3A_103] : memref<1536xf32, #tpu.memory_space<vmem>> -> memref<768xf32, #tpu.memory_space<vmem>>
    tpu.wait_dma2 semaphore(%arg13 : memref<!tpu.dma_semaphore, #tpu.memory_space<semaphore_mem>>) src(%dma_wait3A_104 : memref<768xf32, #tpu.memory_space<vmem>>) dst(%dma_wait3A_102 : memref<768xf32, #tpu.memory_space<hbm>>)
    %dma_wait3A_105 = arith.constant 0 : i32
    %dma_wait3A_106 = tpu.memref_slice %arg9[%dma_wait3A_105] : memref<1536xf32, #tpu.memory_space<vmem>> -> memref<768xf32, #tpu.memory_space<vmem>>
    %dma_wait3A_107 = tpu.memref_slice %arg6[%mul3A_2] : memref<49152xf32, #tpu.memory_space<hbm>> -> memref<768xf32, #tpu.memory_space<hbm>>
    %dma_wait3A_108 = tpu.memref_slice %arg6[%mul3A_2] : memref<49152xf32, #tpu.memory_space<hbm>> -> memref<768xf32, #tpu.memory_space<hbm>>
    %dma_wait3A_109 = arith.constant 0 : i32
    %dma_wait3A_110 = tpu.memref_slice %arg9[%dma_wait3A_109] : memref<1536xf32, #tpu.memory_space<vmem>> -> memref<768xf32, #tpu.memory_space<vmem>>
    tpu.wait_dma2 semaphore(%arg13 : memref<!tpu.dma_semaphore, #tpu.memory_space<semaphore_mem>>) src(%dma_wait3A_110 : memref<768xf32, #tpu.memory_space<vmem>>) dst(%dma_wait3A_108 : memref<768xf32, #tpu.memory_space<hbm>>)
    %dma_wait3A_111 = arith.constant 768 : i32
    %dma_wait3A_112 = tpu.memref_slice %arg8[%dma_wait3A_111] : memref<1536xf32, #tpu.memory_space<vmem>> -> memref<768xf32, #tpu.memory_space<vmem>>
    %dma_wait3A_113 = tpu.memref_slice %arg5[%add3A_4] : memref<49152xf32, #tpu.memory_space<hbm>> -> memref<768xf32, #tpu.memory_space<hbm>>
    %dma_wait3A_114 = tpu.memref_slice %arg5[%add3A_4] : memref<49152xf32, #tpu.memory_space<hbm>> -> memref<768xf32, #tpu.memory_space<hbm>>
    %dma_wait3A_115 = arith.constant 768 : i32
    %dma_wait3A_116 = tpu.memref_slice %arg8[%dma_wait3A_115] : memref<1536xf32, #tpu.memory_space<vmem>> -> memref<768xf32, #tpu.memory_space<vmem>>
    tpu.wait_dma2 semaphore(%arg13 : memref<!tpu.dma_semaphore, #tpu.memory_space<semaphore_mem>>) src(%dma_wait3A_116 : memref<768xf32, #tpu.memory_space<vmem>>) dst(%dma_wait3A_114 : memref<768xf32, #tpu.memory_space<hbm>>)
    %dma_wait3A_117 = arith.constant 768 : i32
    %dma_wait3A_118 = tpu.memref_slice %arg9[%dma_wait3A_117] : memref<1536xf32, #tpu.memory_space<vmem>> -> memref<768xf32, #tpu.memory_space<vmem>>
    %dma_wait3A_119 = tpu.memref_slice %arg6[%add3A_4] : memref<49152xf32, #tpu.memory_space<hbm>> -> memref<768xf32, #tpu.memory_space<hbm>>
    %dma_wait3A_120 = tpu.memref_slice %arg6[%add3A_4] : memref<49152xf32, #tpu.memory_space<hbm>> -> memref<768xf32, #tpu.memory_space<hbm>>
    %dma_wait3A_121 = arith.constant 768 : i32
    %dma_wait3A_122 = tpu.memref_slice %arg9[%dma_wait3A_121] : memref<1536xf32, #tpu.memory_space<vmem>> -> memref<768xf32, #tpu.memory_space<vmem>>
    tpu.wait_dma2 semaphore(%arg13 : memref<!tpu.dma_semaphore, #tpu.memory_space<semaphore_mem>>) src(%dma_wait3A_122 : memref<768xf32, #tpu.memory_space<vmem>>) dst(%dma_wait3A_120 : memref<768xf32, #tpu.memory_space<hbm>>)
    return
  }
}

module attributes {stable_mosaic.version = 14 : i64} {
  func.func @_split_body(%arg0: i32, %arg1: memref<2x524288xf32, #tpu.memory_space<vmem>>, %arg2: memref<3x16384xi32, #tpu.memory_space<vmem>>, %arg3: memref<524288xf32, #tpu.memory_space<vmem>>, %arg4: memref<524288xf32, #tpu.memory_space<vmem>>, %arg5: memref<49152xi32, #tpu.memory_space<vmem>>) attributes {dimension_semantics = [#tpu.dimension_semantics<arbitrary>], iteration_bounds = array<i64: 2>, scalar_prefetch = 0 : i64, scratch_operands = 0 : i64, tpu.core_type = #tpu.core_type<tc>, window_params = [{transform_indices = @transform_0, window_bounds = array<i64: 2, 524288>}, {pipeline_mode = #tpu.pipeline_mode<synchronous>, transform_indices = @transform_1, window_bounds = array<i64: 3, 16384>}, {transform_indices = @transform_2, window_bounds = array<i64: 524288>}, {transform_indices = @transform_3, window_bounds = array<i64: 524288>}, {pipeline_mode = #tpu.pipeline_mode<synchronous>, transform_indices = @transform_4, window_bounds = array<i64: 49152>}]} {
    %get3A = arith.constant 0 : index
    %get3A_0 = arith.constant 0 : index
    %get3A_1 = vector.load %arg1[%get3A, %get3A_0] : memref<2x524288xf32, #tpu.memory_space<vmem>>, vector<1x524288xf32>
    %get3A_2 = vector.shape_cast %get3A_1 : vector<1x524288xf32> to vector<524288xf32>
    %swap3A = arith.constant 0 : index
    %swap3A_3 = vector.load %arg3[%swap3A] : memref<524288xf32, #tpu.memory_space<vmem>>, vector<524288xf32>
    tpu.vector_store %arg3[%swap3A], %get3A_2 {strides = array<i32>} : memref<524288xf32, #tpu.memory_space<vmem>>, vector<524288xf32>,
    %get3A_4 = arith.constant 1 : index
    %get3A_5 = arith.constant 0 : index
    %get3A_6 = vector.load %arg1[%get3A_4, %get3A_5] : memref<2x524288xf32, #tpu.memory_space<vmem>>, vector<1x524288xf32>
    %get3A_7 = vector.shape_cast %get3A_6 : vector<1x524288xf32> to vector<524288xf32>
    %swap3A_8 = arith.constant 0 : index
    %swap3A_9 = vector.load %arg4[%swap3A_8] : memref<524288xf32, #tpu.memory_space<vmem>>, vector<524288xf32>
    tpu.vector_store %arg4[%swap3A_8], %get3A_7 {strides = array<i32>} : memref<524288xf32, #tpu.memory_space<vmem>>, vector<524288xf32>,
    %eq3A = arith.constant 0 : i32
    %eq3A_10 = arith.cmpi eq, %arg0, %eq3A : i32
    %convert_element_type3A = arith.extui %eq3A_10 : i1 to i32
    %cond3A = arith.constant 0 : i32
    %cond3A_11 = arith.cmpi ne, %convert_element_type3A, %cond3A : i32
    scf.if %cond3A_11 {
      %get3A_12 = arith.constant 0 : index
      %get3A_13 = arith.constant 0 : index
      %get3A_14 = vector.load %arg2[%get3A_12, %get3A_13] : memref<3x16384xi32, #tpu.memory_space<vmem>>, vector<3x16384xi32>
      %reshape3A = vector.shape_cast %get3A_14 : vector<3x16384xi32> to vector<49152xi32>
      %swap3A_15 = arith.constant 0 : index
      %swap3A_16 = vector.load %arg5[%swap3A_15] : memref<49152xi32, #tpu.memory_space<vmem>>, vector<49152xi32>
      tpu.vector_store %arg5[%swap3A_15], %reshape3A {strides = array<i32>} : memref<49152xi32, #tpu.memory_space<vmem>>, vector<49152xi32>,
    } else {
    }
    return
  }
  func.func @transform_0(%arg0: i32) -> (i32, i32) {
    %c0_i32 = arith.constant 0 : i32
    %c0_i32_0 = arith.constant 0 : i32
    return %c0_i32, %arg0 : i32, i32
  }
  func.func @transform_1(%arg0: i32) -> (i32, i32) {
    %c0_i32 = arith.constant 0 : i32
    %c0_i32_0 = arith.constant 0 : i32
    %c0_i32_1 = arith.constant 0 : i32
    return %c0_i32, %c0_i32_0 : i32, i32
  }
  func.func @transform_2(%arg0: i32) -> i32 {
    %c0_i32 = arith.constant 0 : i32
    return %arg0 : i32
  }
  func.func @transform_3(%arg0: i32) -> i32 {
    %c0_i32 = arith.constant 0 : i32
    return %arg0 : i32
  }
  func.func @transform_4(%arg0: i32) -> i32 {
    %c0_i32 = arith.constant 0 : i32
    %c0_i32_0 = arith.constant 0 : i32
    return %c0_i32 : i32
  }
}

module attributes {stable_mosaic.version = 14 : i64} {
  func.func @_tc_body(%arg0: memref<1x1xf32, #tpu.memory_space<smem>>, %arg1: memref<3x128x128xf32, #tpu.memory_space<vmem>>, %arg2: memref<3x128x128xf32, #tpu.memory_space<vmem>>, %arg3: memref<3x128x128xf32, #tpu.memory_space<vmem>>, %arg4: memref<1x1xf32, #tpu.memory_space<smem>>) attributes {dimension_semantics = [], scalar_prefetch = 0 : i64, scratch_operands = 0 : i64, tpu.core_type = #tpu.core_type<tc>} {
    %get3A = arith.constant 0 : index
    %get3A_0 = arith.constant 0 : index
    %get3A_1 = memref.load %arg0[%get3A, %get3A_0] : memref<1x1xf32, #tpu.memory_space<smem>>
    %jit3A = arith.constant 0.00999999977 : f32
    %jit3A_2 = arith.constant 9.990000e-01 : f32
    %max3A = arith.maximumf %jit3A, %get3A_1 : f32
    %min3A = arith.minimumf %jit3A_2, %max3A : f32
    %get3A_3 = arith.constant 0 : index
    %get3A_4 = arith.constant 0 : index
    %get3A_5 = arith.constant 0 : index
    %get3A_6 = vector.load %arg1[%get3A_3, %get3A_4, %get3A_5] : memref<3x128x128xf32, #tpu.memory_space<vmem>>, vector<1x128x128xf32>
    %get3A_7 = vector.shape_cast %get3A_6 : vector<1x128x128xf32> to vector<128x128xf32>
    %get3A_8 = arith.constant 0 : index
    %get3A_9 = arith.constant 0 : index
    %get3A_10 = arith.constant 0 : index
    %get3A_11 = vector.load %arg2[%get3A_8, %get3A_9, %get3A_10] : memref<3x128x128xf32, #tpu.memory_space<vmem>>, vector<1x128x128xf32>
    %get3A_12 = vector.shape_cast %get3A_11 : vector<1x128x128xf32> to vector<128x128xf32>
    %mul3A = arith.mulf %get3A_7, %get3A_7 : vector<128x128xf32>
    %mul3A_13 = arith.mulf %get3A_12, %get3A_12 : vector<128x128xf32>
    %add3A = arith.addf %mul3A, %mul3A_13 : vector<128x128xf32>
    %sqrt3A = math.sqrt %add3A : vector<128x128xf32>
    %max3A_14 = arith.constant 9.99999996E-13 : f32
    %max3A_15 = vector.broadcast %max3A_14 : f32 to vector<128x128xf32>
    %max3A_16 = arith.maximumf %sqrt3A, %max3A_15 : vector<128x128xf32>
    %div3A = vector.broadcast %min3A : f32 to vector<128x128xf32>
    %div3A_17 = arith.divf %div3A, %max3A_16 : vector<128x128xf32>
    %mul3A_18 = arith.mulf %get3A_7, %div3A_17 : vector<128x128xf32>
    %mul3A_19 = arith.mulf %get3A_12, %div3A_17 : vector<128x128xf32>
    %get3A_20 = arith.constant 1 : index
    %get3A_21 = arith.constant 0 : index
    %get3A_22 = arith.constant 0 : index
    %get3A_23 = vector.load %arg1[%get3A_20, %get3A_21, %get3A_22] : memref<3x128x128xf32, #tpu.memory_space<vmem>>, vector<1x128x128xf32>
    %get3A_24 = vector.shape_cast %get3A_23 : vector<1x128x128xf32> to vector<128x128xf32>
    %get3A_25 = arith.constant 1 : index
    %get3A_26 = arith.constant 0 : index
    %get3A_27 = arith.constant 0 : index
    %get3A_28 = vector.load %arg2[%get3A_25, %get3A_26, %get3A_27] : memref<3x128x128xf32, #tpu.memory_space<vmem>>, vector<1x128x128xf32>
    %get3A_29 = vector.shape_cast %get3A_28 : vector<1x128x128xf32> to vector<128x128xf32>
    %mul3A_30 = arith.mulf %get3A_24, %get3A_24 : vector<128x128xf32>
    %mul3A_31 = arith.mulf %get3A_29, %get3A_29 : vector<128x128xf32>
    %add3A_32 = arith.addf %mul3A_30, %mul3A_31 : vector<128x128xf32>
    %sqrt3A_33 = math.sqrt %add3A_32 : vector<128x128xf32>
    %max3A_34 = arith.constant 9.99999996E-13 : f32
    %max3A_35 = vector.broadcast %max3A_34 : f32 to vector<128x128xf32>
    %max3A_36 = arith.maximumf %sqrt3A_33, %max3A_35 : vector<128x128xf32>
    %div3A_37 = vector.broadcast %min3A : f32 to vector<128x128xf32>
    %div3A_38 = arith.divf %div3A_37, %max3A_36 : vector<128x128xf32>
    %mul3A_39 = arith.mulf %get3A_24, %div3A_38 : vector<128x128xf32>
    %mul3A_40 = arith.mulf %get3A_29, %div3A_38 : vector<128x128xf32>
    %get3A_41 = arith.constant 2 : index
    %get3A_42 = arith.constant 0 : index
    %get3A_43 = arith.constant 0 : index
    %get3A_44 = vector.load %arg1[%get3A_41, %get3A_42, %get3A_43] : memref<3x128x128xf32, #tpu.memory_space<vmem>>, vector<1x128x128xf32>
    %get3A_45 = vector.shape_cast %get3A_44 : vector<1x128x128xf32> to vector<128x128xf32>
    %get3A_46 = arith.constant 2 : index
    %get3A_47 = arith.constant 0 : index
    %get3A_48 = arith.constant 0 : index
    %get3A_49 = vector.load %arg2[%get3A_46, %get3A_47, %get3A_48] : memref<3x128x128xf32, #tpu.memory_space<vmem>>, vector<1x128x128xf32>
    %get3A_50 = vector.shape_cast %get3A_49 : vector<1x128x128xf32> to vector<128x128xf32>
    %mul3A_51 = arith.mulf %get3A_45, %get3A_45 : vector<128x128xf32>
    %mul3A_52 = arith.mulf %get3A_50, %get3A_50 : vector<128x128xf32>
    %add3A_53 = arith.addf %mul3A_51, %mul3A_52 : vector<128x128xf32>
    %sqrt3A_54 = math.sqrt %add3A_53 : vector<128x128xf32>
    %max3A_55 = arith.constant 9.99999996E-13 : f32
    %max3A_56 = vector.broadcast %max3A_55 : f32 to vector<128x128xf32>
    %max3A_57 = arith.maximumf %sqrt3A_54, %max3A_56 : vector<128x128xf32>
    %div3A_58 = vector.broadcast %min3A : f32 to vector<128x128xf32>
    %div3A_59 = arith.divf %div3A_58, %max3A_57 : vector<128x128xf32>
    %mul3A_60 = arith.mulf %get3A_45, %div3A_59 : vector<128x128xf32>
    %mul3A_61 = arith.mulf %get3A_50, %div3A_59 : vector<128x128xf32>
    %mul3A_62 = arith.mulf %mul3A_18, %mul3A_18 : vector<128x128xf32>
    %mul3A_63 = arith.mulf %mul3A_19, %mul3A_19 : vector<128x128xf32>
    %add3A_64 = arith.addf %mul3A_62, %mul3A_63 : vector<128x128xf32>
    %div3A_65 = arith.divf %mul3A_18, %add3A_64 : vector<128x128xf32>
    %div3A_66 = arith.divf %mul3A_19, %add3A_64 : vector<128x128xf32>
    %mul3A_67 = arith.mulf %div3A_65, %div3A_65 : vector<128x128xf32>
    %mul3A_68 = arith.mulf %div3A_66, %div3A_66 : vector<128x128xf32>
    %add3A_69 = arith.addf %mul3A_67, %mul3A_68 : vector<128x128xf32>
    %sub3A = arith.constant 1.000000e+00 : f32
    %sub3A_70 = vector.broadcast %sub3A : f32 to vector<128x128xf32>
    %sub3A_71 = arith.subf %add3A_69, %sub3A_70 : vector<128x128xf32>
    %sub3A_72 = arith.subf %mul3A_39, %div3A_65 : vector<128x128xf32>
    %sub3A_73 = arith.subf %mul3A_40, %div3A_66 : vector<128x128xf32>
    %mul3A_74 = arith.mulf %sub3A_72, %sub3A_72 : vector<128x128xf32>
    %mul3A_75 = arith.mulf %sub3A_73, %sub3A_73 : vector<128x128xf32>
    %add3A_76 = arith.addf %mul3A_74, %mul3A_75 : vector<128x128xf32>
    %div3A_77 = arith.divf %sub3A_71, %add3A_76 : vector<128x128xf32>
    %mul3A_78 = arith.mulf %div3A_77, %sub3A_72 : vector<128x128xf32>
    %add3A_79 = arith.addf %mul3A_78, %div3A_65 : vector<128x128xf32>
    %mul3A_80 = arith.mulf %div3A_77, %sub3A_73 : vector<128x128xf32>
    %add3A_81 = arith.addf %mul3A_80, %div3A_66 : vector<128x128xf32>
    %mul3A_82 = arith.mulf %mul3A_18, %add3A_79 : vector<128x128xf32>
    %mul3A_83 = arith.mulf %mul3A_19, %add3A_81 : vector<128x128xf32>
    %add3A_84 = arith.addf %mul3A_82, %mul3A_83 : vector<128x128xf32>
    %mul3A_85 = arith.mulf %add3A_79, %add3A_79 : vector<128x128xf32>
    %mul3A_86 = arith.mulf %add3A_81, %add3A_81 : vector<128x128xf32>
    %add3A_87 = arith.addf %mul3A_85, %mul3A_86 : vector<128x128xf32>
    %max3A_88 = arith.constant 1.000000e-15 : f32
    %max3A_89 = vector.broadcast %max3A_88 : f32 to vector<128x128xf32>
    %max3A_90 = arith.maximumf %add3A_87, %max3A_89 : vector<128x128xf32>
    %mul3A_91 = arith.constant 2.000000e+00 : f32
    %mul3A_92 = vector.broadcast %mul3A_91 : f32 to vector<128x128xf32>
    %mul3A_93 = arith.mulf %mul3A_92, %add3A_84 : vector<128x128xf32>
    %div3A_94 = arith.divf %mul3A_93, %max3A_90 : vector<128x128xf32>
    %mul3A_95 = arith.mulf %div3A_94, %add3A_79 : vector<128x128xf32>
    %sub3A_96 = arith.subf %mul3A_95, %mul3A_18 : vector<128x128xf32>
    %mul3A_97 = arith.mulf %div3A_94, %add3A_81 : vector<128x128xf32>
    %sub3A_98 = arith.subf %mul3A_97, %mul3A_19 : vector<128x128xf32>
    %sub3A_99 = arith.subf %sub3A_96, %div3A_65 : vector<128x128xf32>
    %sub3A_100 = arith.subf %sub3A_98, %div3A_66 : vector<128x128xf32>
    %mul3A_101 = arith.mulf %sub3A_99, %sub3A_99 : vector<128x128xf32>
    %mul3A_102 = arith.mulf %sub3A_100, %sub3A_100 : vector<128x128xf32>
    %add3A_103 = arith.addf %mul3A_101, %mul3A_102 : vector<128x128xf32>
    %div3A_104 = arith.divf %sub3A_71, %add3A_103 : vector<128x128xf32>
    %mul3A_105 = arith.mulf %div3A_104, %sub3A_99 : vector<128x128xf32>
    %add3A_106 = arith.addf %mul3A_105, %div3A_65 : vector<128x128xf32>
    %mul3A_107 = arith.mulf %div3A_104, %sub3A_100 : vector<128x128xf32>
    %add3A_108 = arith.addf %mul3A_107, %div3A_66 : vector<128x128xf32>
    %mul3A_109 = arith.mulf %add3A_106, %add3A_106 : vector<128x128xf32>
    %mul3A_110 = arith.mulf %add3A_108, %add3A_108 : vector<128x128xf32>
    %add3A_111 = arith.addf %mul3A_109, %mul3A_110 : vector<128x128xf32>
    %sub3A_112 = arith.constant 1.000000e+00 : f32
    %sub3A_113 = vector.broadcast %sub3A_112 : f32 to vector<128x128xf32>
    %sub3A_114 = arith.subf %sub3A_113, %add3A_111 : vector<128x128xf32>
    %sqrt3A_115 = math.sqrt %sub3A_114 : vector<128x128xf32>
    %add3A_116 = arith.constant 1.000000e+00 : f32
    %add3A_117 = vector.broadcast %add3A_116 : f32 to vector<128x128xf32>
    %add3A_118 = arith.addf %add3A_117, %sqrt3A_115 : vector<128x128xf32>
    %div3A_119 = arith.divf %add3A_106, %add3A_118 : vector<128x128xf32>
    %div3A_120 = arith.divf %add3A_108, %add3A_118 : vector<128x128xf32>
    %mul3A_121 = arith.mulf %div3A_119, %div3A_119 : vector<128x128xf32>
    %mul3A_122 = arith.mulf %div3A_120, %div3A_120 : vector<128x128xf32>
    %add3A_123 = arith.addf %mul3A_121, %mul3A_122 : vector<128x128xf32>
    %sqrt3A_124 = math.sqrt %add3A_123 : vector<128x128xf32>
    %add3A_125 = arith.constant 1.000000e+00 : f32
    %add3A_126 = vector.broadcast %add3A_125 : f32 to vector<128x128xf32>
    %add3A_127 = arith.addf %add3A_126, %sqrt3A_124 : vector<128x128xf32>
    %sub3A_128 = arith.constant 1.000000e+00 : f32
    %sub3A_129 = vector.broadcast %sub3A_128 : f32 to vector<128x128xf32>
    %sub3A_130 = arith.subf %sub3A_129, %sqrt3A_124 : vector<128x128xf32>
    %div3A_131 = arith.divf %add3A_127, %sub3A_130 : vector<128x128xf32>
    %log3A = math.log %div3A_131 : vector<128x128xf32>
    %mul3A_132 = arith.mulf %mul3A_18, %mul3A_18 : vector<128x128xf32>
    %mul3A_133 = arith.mulf %mul3A_19, %mul3A_19 : vector<128x128xf32>
    %add3A_134 = arith.addf %mul3A_132, %mul3A_133 : vector<128x128xf32>
    %div3A_135 = arith.divf %mul3A_18, %add3A_134 : vector<128x128xf32>
    %div3A_136 = arith.divf %mul3A_19, %add3A_134 : vector<128x128xf32>
    %mul3A_137 = arith.mulf %div3A_135, %div3A_135 : vector<128x128xf32>
    %mul3A_138 = arith.mulf %div3A_136, %div3A_136 : vector<128x128xf32>
    %add3A_139 = arith.addf %mul3A_137, %mul3A_138 : vector<128x128xf32>
    %sub3A_140 = arith.constant 1.000000e+00 : f32
    %sub3A_141 = vector.broadcast %sub3A_140 : f32 to vector<128x128xf32>
    %sub3A_142 = arith.subf %add3A_139, %sub3A_141 : vector<128x128xf32>
    %sub3A_143 = arith.subf %mul3A_60, %div3A_135 : vector<128x128xf32>
    %sub3A_144 = arith.subf %mul3A_61, %div3A_136 : vector<128x128xf32>
    %mul3A_145 = arith.mulf %sub3A_143, %sub3A_143 : vector<128x128xf32>
    %mul3A_146 = arith.mulf %sub3A_144, %sub3A_144 : vector<128x128xf32>
    %add3A_147 = arith.addf %mul3A_145, %mul3A_146 : vector<128x128xf32>
    %div3A_148 = arith.divf %sub3A_142, %add3A_147 : vector<128x128xf32>
    %mul3A_149 = arith.mulf %div3A_148, %sub3A_143 : vector<128x128xf32>
    %add3A_150 = arith.addf %mul3A_149, %div3A_135 : vector<128x128xf32>
    %mul3A_151 = arith.mulf %div3A_148, %sub3A_144 : vector<128x128xf32>
    %add3A_152 = arith.addf %mul3A_151, %div3A_136 : vector<128x128xf32>
    %mul3A_153 = arith.mulf %mul3A_18, %add3A_150 : vector<128x128xf32>
    %mul3A_154 = arith.mulf %mul3A_19, %add3A_152 : vector<128x128xf32>
    %add3A_155 = arith.addf %mul3A_153, %mul3A_154 : vector<128x128xf32>
    %mul3A_156 = arith.mulf %add3A_150, %add3A_150 : vector<128x128xf32>
    %mul3A_157 = arith.mulf %add3A_152, %add3A_152 : vector<128x128xf32>
    %add3A_158 = arith.addf %mul3A_156, %mul3A_157 : vector<128x128xf32>
    %max3A_159 = arith.constant 1.000000e-15 : f32
    %max3A_160 = vector.broadcast %max3A_159 : f32 to vector<128x128xf32>
    %max3A_161 = arith.maximumf %add3A_158, %max3A_160 : vector<128x128xf32>
    %mul3A_162 = arith.constant 2.000000e+00 : f32
    %mul3A_163 = vector.broadcast %mul3A_162 : f32 to vector<128x128xf32>
    %mul3A_164 = arith.mulf %mul3A_163, %add3A_155 : vector<128x128xf32>
    %div3A_165 = arith.divf %mul3A_164, %max3A_161 : vector<128x128xf32>
    %mul3A_166 = arith.mulf %div3A_165, %add3A_150 : vector<128x128xf32>
    %sub3A_167 = arith.subf %mul3A_166, %mul3A_18 : vector<128x128xf32>
    %mul3A_168 = arith.mulf %div3A_165, %add3A_152 : vector<128x128xf32>
    %sub3A_169 = arith.subf %mul3A_168, %mul3A_19 : vector<128x128xf32>
    %sub3A_170 = arith.subf %sub3A_167, %div3A_135 : vector<128x128xf32>
    %sub3A_171 = arith.subf %sub3A_169, %div3A_136 : vector<128x128xf32>
    %mul3A_172 = arith.mulf %sub3A_170, %sub3A_170 : vector<128x128xf32>
    %mul3A_173 = arith.mulf %sub3A_171, %sub3A_171 : vector<128x128xf32>
    %add3A_174 = arith.addf %mul3A_172, %mul3A_173 : vector<128x128xf32>
    %div3A_175 = arith.divf %sub3A_142, %add3A_174 : vector<128x128xf32>
    %mul3A_176 = arith.mulf %div3A_175, %sub3A_170 : vector<128x128xf32>
    %add3A_177 = arith.addf %mul3A_176, %div3A_135 : vector<128x128xf32>
    %mul3A_178 = arith.mulf %div3A_175, %sub3A_171 : vector<128x128xf32>
    %add3A_179 = arith.addf %mul3A_178, %div3A_136 : vector<128x128xf32>
    %mul3A_180 = arith.mulf %add3A_177, %add3A_177 : vector<128x128xf32>
    %mul3A_181 = arith.mulf %add3A_179, %add3A_179 : vector<128x128xf32>
    %add3A_182 = arith.addf %mul3A_180, %mul3A_181 : vector<128x128xf32>
    %sub3A_183 = arith.constant 1.000000e+00 : f32
    %sub3A_184 = vector.broadcast %sub3A_183 : f32 to vector<128x128xf32>
    %sub3A_185 = arith.subf %sub3A_184, %add3A_182 : vector<128x128xf32>
    %sqrt3A_186 = math.sqrt %sub3A_185 : vector<128x128xf32>
    %add3A_187 = arith.constant 1.000000e+00 : f32
    %add3A_188 = vector.broadcast %add3A_187 : f32 to vector<128x128xf32>
    %add3A_189 = arith.addf %add3A_188, %sqrt3A_186 : vector<128x128xf32>
    %div3A_190 = arith.divf %add3A_177, %add3A_189 : vector<128x128xf32>
    %div3A_191 = arith.divf %add3A_179, %add3A_189 : vector<128x128xf32>
    %mul3A_192 = arith.mulf %div3A_190, %div3A_190 : vector<128x128xf32>
    %mul3A_193 = arith.mulf %div3A_191, %div3A_191 : vector<128x128xf32>
    %add3A_194 = arith.addf %mul3A_192, %mul3A_193 : vector<128x128xf32>
    %sqrt3A_195 = math.sqrt %add3A_194 : vector<128x128xf32>
    %add3A_196 = arith.constant 1.000000e+00 : f32
    %add3A_197 = vector.broadcast %add3A_196 : f32 to vector<128x128xf32>
    %add3A_198 = arith.addf %add3A_197, %sqrt3A_195 : vector<128x128xf32>
    %sub3A_199 = arith.constant 1.000000e+00 : f32
    %sub3A_200 = vector.broadcast %sub3A_199 : f32 to vector<128x128xf32>
    %sub3A_201 = arith.subf %sub3A_200, %sqrt3A_195 : vector<128x128xf32>
    %div3A_202 = arith.divf %add3A_198, %sub3A_201 : vector<128x128xf32>
    %log3A_203 = math.log %div3A_202 : vector<128x128xf32>
    %mul3A_204 = arith.mulf %mul3A_39, %mul3A_39 : vector<128x128xf32>
    %mul3A_205 = arith.mulf %mul3A_40, %mul3A_40 : vector<128x128xf32>
    %add3A_206 = arith.addf %mul3A_204, %mul3A_205 : vector<128x128xf32>
    %div3A_207 = arith.divf %mul3A_39, %add3A_206 : vector<128x128xf32>
    %div3A_208 = arith.divf %mul3A_40, %add3A_206 : vector<128x128xf32>
    %mul3A_209 = arith.mulf %div3A_207, %div3A_207 : vector<128x128xf32>
    %mul3A_210 = arith.mulf %div3A_208, %div3A_208 : vector<128x128xf32>
    %add3A_211 = arith.addf %mul3A_209, %mul3A_210 : vector<128x128xf32>
    %sub3A_212 = arith.constant 1.000000e+00 : f32
    %sub3A_213 = vector.broadcast %sub3A_212 : f32 to vector<128x128xf32>
    %sub3A_214 = arith.subf %add3A_211, %sub3A_213 : vector<128x128xf32>
    %sub3A_215 = arith.subf %mul3A_60, %div3A_207 : vector<128x128xf32>
    %sub3A_216 = arith.subf %mul3A_61, %div3A_208 : vector<128x128xf32>
    %mul3A_217 = arith.mulf %sub3A_215, %sub3A_215 : vector<128x128xf32>
    %mul3A_218 = arith.mulf %sub3A_216, %sub3A_216 : vector<128x128xf32>
    %add3A_219 = arith.addf %mul3A_217, %mul3A_218 : vector<128x128xf32>
    %div3A_220 = arith.divf %sub3A_214, %add3A_219 : vector<128x128xf32>
    %mul3A_221 = arith.mulf %div3A_220, %sub3A_215 : vector<128x128xf32>
    %add3A_222 = arith.addf %mul3A_221, %div3A_207 : vector<128x128xf32>
    %mul3A_223 = arith.mulf %div3A_220, %sub3A_216 : vector<128x128xf32>
    %add3A_224 = arith.addf %mul3A_223, %div3A_208 : vector<128x128xf32>
    %mul3A_225 = arith.mulf %mul3A_39, %add3A_222 : vector<128x128xf32>
    %mul3A_226 = arith.mulf %mul3A_40, %add3A_224 : vector<128x128xf32>
    %add3A_227 = arith.addf %mul3A_225, %mul3A_226 : vector<128x128xf32>
    %mul3A_228 = arith.mulf %add3A_222, %add3A_222 : vector<128x128xf32>
    %mul3A_229 = arith.mulf %add3A_224, %add3A_224 : vector<128x128xf32>
    %add3A_230 = arith.addf %mul3A_228, %mul3A_229 : vector<128x128xf32>
    %max3A_231 = arith.constant 1.000000e-15 : f32
    %max3A_232 = vector.broadcast %max3A_231 : f32 to vector<128x128xf32>
    %max3A_233 = arith.maximumf %add3A_230, %max3A_232 : vector<128x128xf32>
    %mul3A_234 = arith.constant 2.000000e+00 : f32
    %mul3A_235 = vector.broadcast %mul3A_234 : f32 to vector<128x128xf32>
    %mul3A_236 = arith.mulf %mul3A_235, %add3A_227 : vector<128x128xf32>
    %div3A_237 = arith.divf %mul3A_236, %max3A_233 : vector<128x128xf32>
    %mul3A_238 = arith.mulf %div3A_237, %add3A_222 : vector<128x128xf32>
    %sub3A_239 = arith.subf %mul3A_238, %mul3A_39 : vector<128x128xf32>
    %mul3A_240 = arith.mulf %div3A_237, %add3A_224 : vector<128x128xf32>
    %sub3A_241 = arith.subf %mul3A_240, %mul3A_40 : vector<128x128xf32>
    %sub3A_242 = arith.subf %sub3A_239, %div3A_207 : vector<128x128xf32>
    %sub3A_243 = arith.subf %sub3A_241, %div3A_208 : vector<128x128xf32>
    %mul3A_244 = arith.mulf %sub3A_242, %sub3A_242 : vector<128x128xf32>
    %mul3A_245 = arith.mulf %sub3A_243, %sub3A_243 : vector<128x128xf32>
    %add3A_246 = arith.addf %mul3A_244, %mul3A_245 : vector<128x128xf32>
    %div3A_247 = arith.divf %sub3A_214, %add3A_246 : vector<128x128xf32>
    %mul3A_248 = arith.mulf %div3A_247, %sub3A_242 : vector<128x128xf32>
    %add3A_249 = arith.addf %mul3A_248, %div3A_207 : vector<128x128xf32>
    %mul3A_250 = arith.mulf %div3A_247, %sub3A_243 : vector<128x128xf32>
    %add3A_251 = arith.addf %mul3A_250, %div3A_208 : vector<128x128xf32>
    %mul3A_252 = arith.mulf %add3A_249, %add3A_249 : vector<128x128xf32>
    %mul3A_253 = arith.mulf %add3A_251, %add3A_251 : vector<128x128xf32>
    %add3A_254 = arith.addf %mul3A_252, %mul3A_253 : vector<128x128xf32>
    %sub3A_255 = arith.constant 1.000000e+00 : f32
    %sub3A_256 = vector.broadcast %sub3A_255 : f32 to vector<128x128xf32>
    %sub3A_257 = arith.subf %sub3A_256, %add3A_254 : vector<128x128xf32>
    %sqrt3A_258 = math.sqrt %sub3A_257 : vector<128x128xf32>
    %add3A_259 = arith.constant 1.000000e+00 : f32
    %add3A_260 = vector.broadcast %add3A_259 : f32 to vector<128x128xf32>
    %add3A_261 = arith.addf %add3A_260, %sqrt3A_258 : vector<128x128xf32>
    %div3A_262 = arith.divf %add3A_249, %add3A_261 : vector<128x128xf32>
    %div3A_263 = arith.divf %add3A_251, %add3A_261 : vector<128x128xf32>
    %mul3A_264 = arith.mulf %div3A_262, %div3A_262 : vector<128x128xf32>
    %mul3A_265 = arith.mulf %div3A_263, %div3A_263 : vector<128x128xf32>
    %add3A_266 = arith.addf %mul3A_264, %mul3A_265 : vector<128x128xf32>
    %sqrt3A_267 = math.sqrt %add3A_266 : vector<128x128xf32>
    %add3A_268 = arith.constant 1.000000e+00 : f32
    %add3A_269 = vector.broadcast %add3A_268 : f32 to vector<128x128xf32>
    %add3A_270 = arith.addf %add3A_269, %sqrt3A_267 : vector<128x128xf32>
    %sub3A_271 = arith.constant 1.000000e+00 : f32
    %sub3A_272 = vector.broadcast %sub3A_271 : f32 to vector<128x128xf32>
    %sub3A_273 = arith.subf %sub3A_272, %sqrt3A_267 : vector<128x128xf32>
    %div3A_274 = arith.divf %add3A_270, %sub3A_273 : vector<128x128xf32>
    %log3A_275 = math.log %div3A_274 : vector<128x128xf32>
    %mul3A_276 = arith.constant 2.000000e+01 : f32
    %mul3A_277 = vector.broadcast %mul3A_276 : f32 to vector<128x128xf32>
    %mul3A_278 = arith.mulf %log3A, %mul3A_277 : vector<128x128xf32>
    %mul3A_279 = arith.constant 2.000000e+01 : f32
    %mul3A_280 = vector.broadcast %mul3A_279 : f32 to vector<128x128xf32>
    %mul3A_281 = arith.mulf %log3A_203, %mul3A_280 : vector<128x128xf32>
    %mul3A_282 = arith.constant 2.000000e+01 : f32
    %mul3A_283 = vector.broadcast %mul3A_282 : f32 to vector<128x128xf32>
    %mul3A_284 = arith.mulf %log3A_275, %mul3A_283 : vector<128x128xf32>
    %max3A_285 = arith.maximumf %mul3A_278, %mul3A_281 : vector<128x128xf32>
    %max3A_286 = arith.maximumf %max3A_285, %mul3A_284 : vector<128x128xf32>
    %sub3A_287 = arith.subf %mul3A_278, %max3A_286 : vector<128x128xf32>
    %exp3A = math.exp %sub3A_287 : vector<128x128xf32>
    %sub3A_288 = arith.subf %mul3A_281, %max3A_286 : vector<128x128xf32>
    %exp3A_289 = math.exp %sub3A_288 : vector<128x128xf32>
    %sub3A_290 = arith.subf %mul3A_284, %max3A_286 : vector<128x128xf32>
    %exp3A_291 = math.exp %sub3A_290 : vector<128x128xf32>
    %add3A_292 = arith.addf %exp3A, %exp3A_289 : vector<128x128xf32>
    %add3A_293 = arith.addf %add3A_292, %exp3A_291 : vector<128x128xf32>
    %get3A_294 = arith.constant 0 : index
    %get3A_295 = arith.constant 0 : index
    %get3A_296 = arith.constant 0 : index
    %get3A_297 = vector.load %arg3[%get3A_294, %get3A_295, %get3A_296] : memref<3x128x128xf32, #tpu.memory_space<vmem>>, vector<1x128x128xf32>
    %get3A_298 = vector.shape_cast %get3A_297 : vector<1x128x128xf32> to vector<128x128xf32>
    %get3A_299 = arith.constant 1 : index
    %get3A_300 = arith.constant 0 : index
    %get3A_301 = arith.constant 0 : index
    %get3A_302 = vector.load %arg3[%get3A_299, %get3A_300, %get3A_301] : memref<3x128x128xf32, #tpu.memory_space<vmem>>, vector<1x128x128xf32>
    %get3A_303 = vector.shape_cast %get3A_302 : vector<1x128x128xf32> to vector<128x128xf32>
    %get3A_304 = arith.constant 2 : index
    %get3A_305 = arith.constant 0 : index
    %get3A_306 = arith.constant 0 : index
    %get3A_307 = vector.load %arg3[%get3A_304, %get3A_305, %get3A_306] : memref<3x128x128xf32, #tpu.memory_space<vmem>>, vector<1x128x128xf32>
    %get3A_308 = vector.shape_cast %get3A_307 : vector<1x128x128xf32> to vector<128x128xf32>
    %mul3A_309 = arith.mulf %get3A_298, %exp3A : vector<128x128xf32>
    %mul3A_310 = arith.mulf %get3A_303, %exp3A_289 : vector<128x128xf32>
    %add3A_311 = arith.addf %mul3A_309, %mul3A_310 : vector<128x128xf32>
    %mul3A_312 = arith.mulf %get3A_308, %exp3A_291 : vector<128x128xf32>
    %add3A_313 = arith.addf %add3A_311, %mul3A_312 : vector<128x128xf32>
    %div3A_314 = arith.divf %add3A_313, %add3A_293 : vector<128x128xf32>
    %add3A_315 = arith.addf %get3A_298, %get3A_303 : vector<128x128xf32>
    %add3A_316 = arith.addf %add3A_315, %get3A_308 : vector<128x128xf32>
    %sub3A_317 = arith.subf %add3A_316, %div3A_314 : vector<128x128xf32>
    %reduce_sum3A = vector.shape_cast %sub3A_317 : vector<128x128xf32> to vector<1x128x128xf32>
    %reduce_sum3A_318 = arith.constant dense<0.000000e+00> : vector<1xf32>
    %reduce_sum3A_319 = vector.multi_reduction <add>, %reduce_sum3A, %reduce_sum3A_318 [1, 2] : vector<1x128x128xf32> to vector<1xf32>
    %reduce_sum3A_320 = vector.shape_cast %reduce_sum3A_319 : vector<1xf32> to vector<1x1x1xf32>
    %reduce_sum3A_321 = vector.extract %reduce_sum3A_320[0, 0, 0] : f32 from vector<1x1x1xf32>
    %mul3A_322 = arith.constant 6.10351563E-5 : f32
    %mul3A_323 = arith.mulf %reduce_sum3A_321, %mul3A_322 : f32
    %swap3A = arith.constant 0 : index
    %swap3A_324 = arith.constant 0 : index
    %swap3A_325 = memref.load %arg4[%swap3A, %swap3A_324] : memref<1x1xf32, #tpu.memory_space<smem>>
    memref.store %mul3A_323, %arg4[%swap3A, %swap3A_324] : memref<1x1xf32, #tpu.memory_space<smem>>
    return
  }
}

</mosaic_0001>

<sc_bundles>
// kernel: kernel.5.cloned.1.call-start
scs
__scs_entry_jumppad:
0x0: {  	(pc) =	sbr.rel $0x88, $3  }
0x1: {  	(tag) =	ssettag $0x0;
	lr =	simm.s32 $0x1  }
0x2: {  	[smem:$0x3F9D] =	sst lr;
	_ =	strace $0xD0000000  }
0x3: {  	_ = 	snop  }
0x4: {  	_ = 	snop  }
0x5: {  	_ = 	snop  }
0x6: {  	_ = 	snop  }
0x7: {  	_ = 	snop  }
__scs_overlays_trampoline_lowered:
0x8: {  	[smem:$0x3FAC] =	sst s0  }
0x9: {  	[smem:$0x3FAD] =	sst s1  }
0xa: {  	[smem:$0x3FAE] =	sst s2  }
0xb: {  	[smem:$0x3FAF] =	sst s3  }
0xc: {  	[smem:$0x3FB0] =	sst s4  }
0xd: {  	[smem:$0x3FB1] =	sst s5  }
0xe: {  	[smem:$0x3FB2] =	sst s6  }
0xf: {  	[smem:$0x3FB3] =	sst s7  }
0x10: {  	[smem:$0x3FB4] =	sst s8  }
0x11: {  	[smem:$0x3FB5] =	sst s9;
	s0 =	simm.s32 @!p0 $0x0  }
0x12: {  	s1 =	sld [smem:$0x3F9B];
	s0 =	simm.s32 @p0 $0x1  }
0x13: {  	[smem:$0x3FB6] =	sst s0;
	s0 =	simm.s32 @!p1 $0x0  }
0x14: {  	s2 =	sld [smem:$0x3F9A];
	s0 =	simm.s32 @p1 $0x1  }
0x15: {  	[smem:$0x3FB7] =	sst s0;
	s0 =	simm.s32 @!p2 $0x0  }
0x16: {  	s3 =	sld [smem:$0x3FDB];
	s0 =	simm.s32 @p2 $0x1  }
0x17: {  	s4 =	simm.s32 $0x1BF5;
	[smem:$0x3FB9] =	sst s0  }
0x18: {  	s0 =	sld [smem:$0x3F9C];
	_ =	swait.ge [sflag:s4], $0x0  }
0x19: {  	s7 =	sld [smem:$0x3F9D]  }
0x1a: {  	s8 =	sadd.s32 $0xFFFFE003, lr  }
0x1b: {  	s9 =	sadd.s32 $0xFFFFFEF7, lr;
	s5 =	simm.s32 $0xFFFFFFFF;
	p2 =	slt.u32 s8, $0xFFFFF086  }
0x1c: {  	p1 =	slt.u32 s9, $0xF7A;
	s5 =	simm.s32 @!p2 $0x0  }
0x1d: {  	s5 =	simm.s32 @p1 $0x1;
	p0 =	seq.s32 s7, s2  }
0x1e: {  	s7 =	smul.u32 @!p0 $0xF7A, s2;
	p2 =	seq.s32 @!p0 s5, $0x0  }
0x1f: {  	s9 =	smul.u32 $0xF7A, s1;
	s8 =	simm.s32 @!p0 $0x1BF5;
	p2 =	por !p2, p0  }
0x20: {  	[sflag:s8] =	ssyncset.s32 @!p0 $0xFFFFF086;
	s6 =	sadd.s32 @!p0 s3, s7;
	s7 =	simm.s32 @!p0 $0x108  }
0x21: {  	s3 =	sadd.s32 s3, s9;
	s6 =	sadd.s32 @!p0 $0x88, s6;
	s7 =	simm.s32 @p2 $0x1082  }
0x22: {  	[simem:s7], [sflag:s8] =	dma.local @!p0 [hbm:s6], $0xF7A  }
0x23: {  	s9 =	sor.u32 $0xD0000000, s2;
	s6 =	simm.s32 $0x108;
	_ =	swait.ge @!p0 [sflag:s8], $0x0  }
0x24: {  	s3 =	sadd.s32 $0x88, s3;
	s6 =	simm.s32 @!p1 $0x1082;
	[sflag:s4] =	ssyncset.s32 $0xFFFFF086  }
0x25: {  	[simem:s6], [sflag:s4] =	dma.local [hbm:s3], $0xF7A  }
0x26: {  	[smem:$0x3F9D] =	sst s1;
	(tag) =	ssettag s2;
	_ =	strace s9  }
0x27: {  	s1 =	sld [smem:$0x3FAD]  }
0x28: {  	s2 =	sld [smem:$0x3FAE]  }
0x29: {  	s4 =	sld [smem:$0x3FB0]  }
0x2a: {  	p0 =	seq.s32 s5, $0x0;
	s5 =	sld [smem:$0x3FB1]  }
0x2b: {  	s6 =	sld [smem:$0x3FB2]  }
0x2c: {  	s7 =	sld [smem:$0x3FB3]  }
0x2d: {  	s3 =	simm.s32 $0x108;
	s8 =	sld [smem:$0x3FB4]  }
0x2e: {  	s3 =	simm.s32 @!p0 $0x1082;
	s9 =	sld [smem:$0x3FB5]  }
0x2f: {  	lr =	sadd.s32 s0, s3;
	s0 =	sld [smem:$0x3FAC]  }
0x30: {  	s3 =	sld [smem:$0x3FAF]  }
0x31: {  	[smem:$0x3FB8] =	sst s10  }
0x32: {  	s10 =	sld [smem:$0x3FB6];
	_ =	sdelay $0x3  }
0x33: {  	p0 =	seq.s32 s10, $0x1;
	s10 =	sld [smem:$0x3FB8];
	_ =	sdelay $0x3  }
0x34: {  	[smem:$0x3FB8] =	sst s10  }
0x35: {  	s10 =	sld [smem:$0x3FB7];
	_ =	sdelay $0x3  }
0x36: {  	p1 =	seq.s32 s10, $0x1;
	s10 =	sld [smem:$0x3FB8];
	_ =	sdelay $0x3  }
0x37: {  	[smem:$0x3FB8] =	sst s10  }
0x38: {  	s10 =	sld [smem:$0x3FB9]  }
0x39: {  	_ = 	snop;
	(pc) =	sbr.ind lr, $3  }
0x3a: {  	_ = 	snop  }
0x3b: {  	_ = 	snop  }
0x3c: {  	p2 =	seq.s32 s10, $0x1;
	s10 =	sld [smem:$0x3FB8]  }
0x3d: {  	_ =	shalt  }
0x3e: {  	_ =	shalt  }
0x3f: {  	_ =	shalt  }
0x40: {  	_ =	shalt  }
0x41: {  	_ =	shalt  }
0x42: {  	_ =	shalt  }
0x43: {  	_ =	shalt  }
0x44: {  	_ =	shalt  }
0x45: {  	_ =	shalt  }
0x46: {  	_ =	shalt  }
0x47: {  	_ =	shalt  }
0x48: {  	_ =	shalt  }
0x49: {  	_ =	shalt  }
0x4a: {  	_ =	shalt  }
0x4b: {  	_ =	shalt  }
0x4c: {  	_ =	shalt  }
0x4d: {  	_ =	shalt  }
0x4e: {  	_ =	shalt  }
0x4f: {  	_ =	shalt  }
0x50: {  	_ =	shalt  }
0x51: {  	_ =	shalt  }
0x52: {  	_ =	shalt  }
0x53: {  	_ =	shalt  }
0x54: {  	_ =	shalt  }
0x55: {  	_ =	shalt  }
0x56: {  	_ =	shalt  }
0x57: {  	_ =	shalt  }
0x58: {  	_ =	shalt  }
0x59: {  	_ =	shalt  }
0x5a: {  	_ =	shalt  }
0x5b: {  	_ =	shalt  }
0x5c: {  	_ =	shalt  }
0x5d: {  	_ =	shalt  }
0x5e: {  	_ =	shalt  }
0x5f: {  	_ =	shalt  }
0x60: {  	_ =	shalt  }
0x61: {  	_ =	shalt  }
0x62: {  	_ =	shalt  }
0x63: {  	_ =	shalt  }
0x64: {  	_ =	shalt  }
0x65: {  	_ =	shalt  }
0x66: {  	_ =	shalt  }
0x67: {  	_ =	shalt  }
0x68: {  	_ =	shalt  }
0x69: {  	_ =	shalt  }
0x6a: {  	_ =	shalt  }
0x6b: {  	_ =	shalt  }
0x6c: {  	_ =	shalt  }
0x6d: {  	_ =	shalt  }
0x6e: {  	_ =	shalt  }
0x6f: {  	_ =	shalt  }
0x70: {  	_ =	shalt  }
0x71: {  	_ =	shalt  }
0x72: {  	_ =	shalt  }
0x73: {  	_ =	shalt  }
0x74: {  	_ =	shalt  }
0x75: {  	_ =	shalt  }
0x76: {  	_ =	shalt  }
0x77: {  	_ =	shalt  }
0x78: {  	_ =	shalt  }
0x79: {  	_ =	shalt  }
0x7a: {  	_ =	shalt  }
0x7b: {  	_ =	shalt  }
0x7c: {  	_ =	shalt  }
0x7d: {  	_ =	shalt  }
0x7e: {  	_ =	shalt  }
0x7f: {  	_ =	shalt  }
0x80: {  	_ =	shalt  }
0x81: {  	_ =	shalt  }
0x82: {  	_ =	shalt  }
0x83: {  	_ =	shalt  }
0x84: {  	_ =	shalt  }
0x85: {  	_ =	shalt  }
0x86: {  	_ =	shalt  }
0x87: {  	_ =	shalt  }
.Lfunc_end0:
.L_simem_size_0:
called_computation_lowered:
.L_overlay_start_0:
0x88: {  	s2 =	sld [smem:$0x3FD9]  }
0x89: {  	s3 =	sld [smem:$0x3FFE];
	_ =	sdelay $0x1  }
0x8a: {  	s1 =	srdreg.scid  }
0x8b: {  	s0 =	sand.u32 $0x1, s1  }
0x8c: {  	s16 =	sshll.u32 s0, $0xA;
	s2 =	sadd.s32 s3, s2  }
0x8d: {  	s2 =	sadd.s32 s2, s16  }
0x8e: {  	[smem:$0x3FC4] =	sst s2  }
0x8f: {  	_ = 	snop  }
0x90: {  	(tm) =	ssettm $0x1  }
0x91: {  	s17 =	sld [smem:$0x3FFB];
	_ =	sdelay $0x3  }
0x92: {  	_ =	strace s17  }
0x93: {  	s2 =	sld [smem:$0x3FFC];
	_ =	sdelay $0x3  }
0x94: {  	_ =	strace s2  }
0x95: {  	s2 =	sld [smem:$0x3FFD];
	_ =	sdelay $0x3  }
0x96: {  	_ =	strace s2  }
0x97: {  	_ =	strace $0x8FFFFFFF  }
0x98: {  	s18 =	sld [smem:$0x3FDB];
	_ =	sdelay $0x1  }
0x99: {  	s19 =	simm.s32 $_scs_section_size  }
0x9a: {  	s4 =	simm.s32 $_size__tile_overlayer_lowered;
	s5 =	simm.s32 $_tile_overlayer_lowered  }
0x9b: {  	s22 =	simm.s32 $0x1BFF;
	s21 =	sshll.u32 s5, $0x1;
	s2 =	sadd.s32 s19, s18  }
0x9c: {  	s6 =	simm.s32 $0x0;
	s20 =	sshll.u32 s4, $0x1;
	s4 =	sadd.s32 s21, s2  }
0x9d: {  	[timem:s6], [sflag:s22] =	dma.local [hbm:s4], s20  }
0x9e: {  	_ =	swait.ge [sflag:s22], s20  }
0x9f: {  	s3 =	ssub.s32 $0x0, s20;
	[sflag:s22] =	ssyncset.done $0x0  }
0xa0: {  	[sflag:s22] =	ssyncadd.s32 s3;
	_ =	sdelay $0x1  }
0xa1: {  	s23 =	simm.s32 $0x1B8B  }
0xa2: {  	_ =	swait.ge [sflag:s23], $0x1  }
0xa3: {  	[sflag:s23] =	ssyncset.done $0x0  }
0xa4: {  	s25 =	simm.s32 $0x1B8E;
	s24 =	sld [smem:$0x3FFE];
	[sflag:s23] =	ssyncadd.s32 $0xFFFFFFFF  }
0xa5: {  	s26 =	simm.s32 $execute0_lowered;
	[smem:$0x3FD2] =	sst s25  }
0xa6: {  	s4 =	sshll.u32 s26, $0x1;
	_ =	strace $0x80000046;
	[dreg:$0x1] =	wrdreg $0xFFFFFFFF  }
0xa7: {  	s28 =	simm.s32 $_size_execute0_lowered;
	s2 =	sadd.s32 s2, s4;
	[dreg:$0x0] =	wrdreg $0x0  }
0xa8: {  	s4 =	sshll.u32 s28, $0x1;
	[dreg:$0x2] =	wrdreg s2  }
0xa9: {  	[dreg:$0x3] =	wrdreg s4  }
0xaa: {  	[dreg:$0x4] =	wrdreg $0xC0  }
0xab: {  	_ =	task [dreg:s6], $0x5FFFF  }
0xac: {  	[dreg:$0x1] =	wrdreg $0xFFFFFFFF  }
0xad: {  	[dreg:$0x0] =	wrdreg $0x60  }
0xae: {  	[dreg:$0x2] =	wrdreg s24  }
0xaf: {  	[dreg:$0x3] =	wrdreg $0x9  }
0xb0: {  	_ =	task.clear_ibuf [dreg:s6], $0x4FFFF;
	_ =	strace $0x90000046  }
0xb1: {  	s29 =	simm.s32 $0x9;
	_ =	strace $0x80000048  }
0xb2: {  	_ =	swait.ge [sflag:s29], $0x1  }
0xb3: {  	[sflag:s29] =	ssyncadd.s32 $0xFFFFFFFF  }
0xb4: {  	_ =	strace $0x90000048  }
0xb5: {  	_ =	sfence  }
0xb6: {  	s30 =	sld [smem:$0x0];
	_ =	sdelay $0x2  }
0xb7: {  	s31 =	sshll.u32 s1, $0xD;
	s1 =	sshrl.u32 s1, $0x2  }
0xb8: {  	s3 =	sand.u32 $0x4000, s31;
	s1 =	sadd.s32 s1, s30  }
0xb9: {  	s0 =	sor.u32 s3, s0;
	s1 =	sshll.u32 s1, $0x11  }
0xba: {  	s0 =	sor.u32 s1, s0  }
0xbb: {  	s0 =	sadd.s32 $0x8F2B, s0  }
0xbc: {  	[sflag:s0] =	ssyncadd.remote.s32 $0x1  }
0xbd: {  	_ =	sfence.sel $0xFFFF  }
0xbe: {  	[dreg:$0x0] =	wrdreg $0xFFFFFFFF;
	(pc) =	sbr.abs _section_cstart, $3  }
0xbf: {  	[dreg:$0x1] =	wrdreg $0xFFFFFFFF  }
0xc0: {  	_ =	task.clear_ibuf [dreg:s6], $0x2FFFF;
	_ =	strace $0x9FFFFFFF  }
0xc1: {  	(tm) =	ssettm $0x7FFFFFFF  }
tec
execute0_lowered:
.L_overlay_start_1:
0x0: {  	(tag) =	ssettag $0x1  }
0x1: {  	s1 =	srdreg.scid;
	s0 =	stileid.u32  }
0x2: {  	s20 =	sand.u32 $0x1, s1;
	s30 =	sshll.u32 s0, $0x1  }
0x3: {  	s1 =	sor.u32 s20, s30  }
0x4: {  	s16 =	rddreg [dreg:$0x0];
	s2 =	simm.s32 $0x0;
	s3 =	smul.u32 $0x600, s1  }
0x5: {  	[smem:$0x7FF] =	sst s2  }
0x6: {  	s4 =	sadd.s32 $0x3EE00, s16;
	s1 =	rddreg [dreg:$0x1];
	s17 =	sshrl.u32 s3, $0x3  }
0x7: {  	_ =	strace $0x80000047;
	s3 =	sadd.s32 s4, s17;
	s18 =	sadd.s32 $0x60, s17  }
0x8: {  	[tilespmem:s2], [sflag:$0x1] =	stream.linear.gather [hbm4b:s3+s2], $0x300, $0x38;
	[tilespmem:$0x1200] =	vst v63  }
0x9: {  	s5 =	simm.s32 $0x300;
	s6 =	simm.s32 $0x1;
	s4 =	sadd.s32 s4, s18  }
0xa: {  	[tilespmem:s5], [sflag:$0x1] =	stream.linear.gather [hbm4b:s4+s2], $0x300, $0x38;
	[tilespmem:$0x1200] =	vst v63  }
0xb: {  	_ =	swait.ge [sflag:s6], $0x300  }
0xc: {  	[sflag:s6] =	ssyncset.done $0x0  }
0xd: {  	s8 =	simm.s32 $0x600;
	s7 =	sadd.s32 $0x1A00, s16;
	[sflag:s6] =	ssyncadd.s32 $0xFFFFFD00  }
0xe: {  	[tilespmem:s8], [sflag:$0x2] =	stream.indirect.gather [hbm4b:s7+s5], $0x1, s2, s5, $0xb8;
	[tilespmem:$0x1200] =	vst v63  }
0xf: {  	s10 =	simm.s32 $0xC00;
	s9 =	sadd.s32 $0x20400, s16  }
0x10: {  	[tilespmem:s10], [sflag:$0x3] =	stream.indirect.gather [hbm4b:s9+s5], $0x1, s2, s5, $0xb8;
	[tilespmem:$0x1200] =	vst v63  }
0x11: {  	_ =	swait.ge [sflag:s6], $0x300  }
0x12: {  	[sflag:s6] =	ssyncset.done $0x0  }
0x13: {  	s11 =	simm.s32 $0x900;
	[sflag:s6] =	ssyncadd.s32 $0xFFFFFD00  }
0x14: {  	[tilespmem:s11], [sflag:$0x2] =	stream.indirect.gather [hbm4b:s7+s5], $0x1, s5, s5, $0xb8;
	[tilespmem:$0x1200] =	vst v63  }
0x15: {  	s12 =	simm.s32 $0xF00;
	s13 =	simm.s32 $0x2  }
0x16: {  	[tilespmem:s12], [sflag:$0x3] =	stream.indirect.gather [hbm4b:s9+s5], $0x1, s5, s5, $0xb8;
	[tilespmem:$0x1200] =	vst v63  }
0x17: {  	_ =	swait.ge [sflag:s13], $0x300  }
0x18: {  	s19 =	sadd.s32 $0x40600, s16;
	[sflag:s13] =	ssyncset.done $0x0  }
0x19: {  	s15 =	simm.s32 $0x3;
	s14 =	sadd.s32 s19, s17;
	[sflag:s13] =	ssyncadd.s32 $0xFFFFFD00  }
0x1a: {  	[hbm4b:s14+s2] =	stream.linear.scatter [tilespmem:s8], [sflag:$0x4], $0x300, $0x38;
	[tilespmem:$0x1200] =	vst v63  }
0x1b: {  	_ =	swait.ge [sflag:s15], $0x300  }
0x1c: {  	s21 =	sadd.s32 $0x41E00, s16;
	[sflag:s15] =	ssyncset.done $0x0  }
0x1d: {  	s16 =	sadd.s32 s21, s17;
	[sflag:s15] =	ssyncadd.s32 $0xFFFFFD00  }
0x1e: {  	[hbm4b:s16+s2] =	stream.linear.scatter [tilespmem:s10], [sflag:$0x4], $0x300, $0x38;
	[tilespmem:$0x1200] =	vst v63  }
0x1f: {  	_ =	swait.ge [sflag:s13], $0x300  }
0x20: {  	[sflag:s13] =	ssyncset.done $0x0  }
0x21: {  	s17 =	sadd.s32 s19, s18;
	[sflag:s13] =	ssyncadd.s32 $0xFFFFFD00  }
0x22: {  	[hbm4b:s17+s2] =	stream.linear.scatter [tilespmem:s11], [sflag:$0x4], $0x300, $0x38;
	[tilespmem:$0x1200] =	vst v63  }
0x23: {  	_ =	swait.ge [sflag:s15], $0x300  }
0x24: {  	[sflag:s15] =	ssyncset.done $0x0  }
0x25: {  	s19 =	sadd.s32 s21, s18;
	s18 =	simm.s32 $0x4;
	[sflag:s15] =	ssyncadd.s32 $0xFFFFFD00  }
0x26: {  	[hbm4b:s19+s2] =	stream.linear.scatter [tilespmem:s12], [sflag:$0x4], $0x300, $0x38;
	[tilespmem:$0x1200] =	vst v63  }
0x27: {  	_ =	swait.ge [sflag:s18], $0x300  }
0x28: {  	s20 =	ssub.s32 $0x2, s20;
	[sflag:s18] =	ssyncset.done $0x0  }
0x29: {  	s31 =	sshrl.u32 s20, $0x1;
	[sflag:s18] =	ssyncadd.s32 $0xFFFFFD00  }
0x2a: {  	s20 =	ssub.s32 s20, s31;
	_ =	swait.ge [sflag:s18], $0x300  }
0x2b: {  	s20 =	smax.u32 s20, $0x1;
	[sflag:s18] =	ssyncset.done $0x0  }
0x2c: {  	p0 =	sne.s32 s20, $0x1;
	[sflag:s18] =	ssyncadd.s32 $0xFFFFFD00  }
.Ltmp0:
0x2d: {  	_ =	swait.ge [sflag:s18], $0x300;
	(pc) =	sbr.rel @!p0 .LBB2_2-.Ltmp0, $4  }
0x2e: {  	[sflag:s18] =	ssyncset.done $0x0  }
0x2f: {  	[sflag:s18] =	ssyncadd.s32 $0xFFFFFD00  }
0x30: {  	_ =	swait.ge [sflag:s18], $0x300  }
0x31: {  	s20 =	sadd.s32 $0xFFFFFFFF, s20;
	[sflag:s18] =	ssyncset.done $0x0  }
.LBB2_1:
0x32: {  	p0 =	sne.s32 s20, $0x1;
	s20 =	sadd.s32 $0xFFFFFFFF, s20;
	[sflag:s18] =	ssyncadd.s32 $0xFFFFFD00  }
0x33: {  	[tilespmem:s2], [sflag:$0x1] =	stream.linear.gather [hbm4b:s3+s2], $0x300, $0x38;
	[tilespmem:$0x1200] =	vst v63  }
0x34: {  	_ = 	snop  }
0x35: {  	[tilespmem:s5], [sflag:$0x1] =	stream.linear.gather [hbm4b:s4+s2], $0x300, $0x38;
	[tilespmem:$0x1200] =	vst v63  }
0x36: {  	_ =	swait.ge [sflag:s6], $0x300  }
0x37: {  	[sflag:s6] =	ssyncset.done $0x0  }
0x38: {  	[sflag:s6] =	ssyncadd.s32 $0xFFFFFD00  }
0x39: {  	[tilespmem:s8], [sflag:$0x2] =	stream.indirect.gather [hbm4b:s7+s5], $0x1, s2, s5, $0xb8;
	[tilespmem:$0x1200] =	vst v63  }
0x3a: {  	_ = 	snop  }
0x3b: {  	[tilespmem:s10], [sflag:$0x3] =	stream.indirect.gather [hbm4b:s9+s5], $0x1, s2, s5, $0xb8;
	[tilespmem:$0x1200] =	vst v63  }
0x3c: {  	_ =	swait.ge [sflag:s6], $0x300  }
0x3d: {  	[sflag:s6] =	ssyncset.done $0x0  }
0x3e: {  	[sflag:s6] =	ssyncadd.s32 $0xFFFFFD00  }
0x3f: {  	[tilespmem:s11], [sflag:$0x2] =	stream.indirect.gather [hbm4b:s7+s5], $0x1, s5, s5, $0xb8;
	[tilespmem:$0x1200] =	vst v63  }
0x40: {  	_ = 	snop  }
0x41: {  	[tilespmem:s12], [sflag:$0x3] =	stream.indirect.gather [hbm4b:s9+s5], $0x1, s5, s5, $0xb8;
	[tilespmem:$0x1200] =	vst v63  }
0x42: {  	_ =	swait.ge [sflag:s13], $0x300  }
0x43: {  	[sflag:s13] =	ssyncset.done $0x0  }
0x44: {  	[sflag:s13] =	ssyncadd.s32 $0xFFFFFD00  }
0x45: {  	[hbm4b:s14+s2] =	stream.linear.scatter [tilespmem:s8], [sflag:$0x4], $0x300, $0x38;
	[tilespmem:$0x1200] =	vst v63  }
0x46: {  	_ =	swait.ge [sflag:s15], $0x300  }
0x47: {  	[sflag:s15] =	ssyncset.done $0x0  }
0x48: {  	[sflag:s15] =	ssyncadd.s32 $0xFFFFFD00  }
0x49: {  	[hbm4b:s16+s2] =	stream.linear.scatter [tilespmem:s10], [sflag:$0x4], $0x300, $0x38;
	[tilespmem:$0x1200] =	vst v63  }
0x4a: {  	_ =	swait.ge [sflag:s13], $0x300  }
0x4b: {  	[sflag:s13] =	ssyncset.done $0x0  }
0x4c: {  	[sflag:s13] =	ssyncadd.s32 $0xFFFFFD00  }
0x4d: {  	[hbm4b:s17+s2] =	stream.linear.scatter [tilespmem:s11], [sflag:$0x4], $0x300, $0x38;
	[tilespmem:$0x1200] =	vst v63  }
0x4e: {  	_ =	swait.ge [sflag:s15], $0x300  }
0x4f: {  	[sflag:s15] =	ssyncset.done $0x0  }
0x50: {  	[sflag:s15] =	ssyncadd.s32 $0xFFFFFD00  }
0x51: {  	[hbm4b:s19+s2] =	stream.linear.scatter [tilespmem:s12], [sflag:$0x4], $0x300, $0x38;
	[tilespmem:$0x1200] =	vst v63  }
0x52: {  	_ =	swait.ge [sflag:s18], $0x300  }
0x53: {  	[sflag:s18] =	ssyncset.done $0x0  }
0x54: {  	[sflag:s18] =	ssyncadd.s32 $0xFFFFFD00  }
0x55: {  	_ =	swait.ge [sflag:s18], $0x300  }
0x56: {  	[sflag:s18] =	ssyncset.done $0x0  }
0x57: {  	[sflag:s18] =	ssyncadd.s32 $0xFFFFFD00  }
.Ltmp1:
0x58: {  	_ =	swait.ge [sflag:s18], $0x300;
	(pc) =	sbr.rel @p0 .LBB2_1-.Ltmp1, $4  }
0x59: {  	[sflag:s18] =	ssyncset.done $0x0  }
0x5a: {  	[sflag:s18] =	ssyncadd.s32 $0xFFFFFD00  }
0x5b: {  	_ =	swait.ge [sflag:s18], $0x300  }
0x5c: {  	[sflag:s18] =	ssyncset.done $0x0  }
.LBB2_2:
0x5d: {  	[sflag:s18] =	ssyncadd.s32 $0xFFFFFD00  }
0x5e: {  	_ =	sfence.sel $0x180000  }
0x5f: {  	[bflag:$0x0] =	sbarrier.arrive $0xFFFF  }
0x60: {  	p0 =	sne.s32 s0, $0x0;
	_ =	strace $0x90000047  }
0x61: {  	s0 =	sadd.s32 @!p0 $0x100000, s1;
	[bflag:$0x2] =	sbarrier.arrive $0xFFFF  }
0x62: {  	[sflag:s0] =	ssyncadd.tile.s32 @!p0 $0x1;
	_ =	shalt  }
.Lfunc_end2:
_tile_overlayer_lowered:
.L_overlay_start_2:
0x63: {  	(tag) =	ssettag $0x2  }
0x64: {  	s0 =	rddreg [dreg:$0x0];
	s2 =	stileid.u32  }
0x65: {  	s1 =	rddreg [dreg:$0x1];
	p0 =	sne.s32 s2, $0x0  }
0x66: {  	s3 =	rddreg [dreg:$0x2];
	[bflag:$0x3] =	sbarrier.arrive $0xFFFF;
	s2 =	simm.s32 @!p0 $0x1C05  }
0x67: {  	[timem:s3], [sflag:s2] =	dma.local @!p0 [hbm:s0], s1  }
0x68: {  	s0 =	simm.s32 @!p0 $0x5  }
0x69: {  	_ =	swait.ge @!p0 [sflag:s0], s1  }
0x6a: {  	s1 =	ssub.s32 @!p0 $0x0, s1;
	[sflag:s0] =	ssyncset.done @!p0 $0x0  }
0x6b: {  	[sflag:s0] =	ssyncadd.s32 @!p0 s1  }
0x6c: {  	[bflag:$0x3] =	sbarrier.arrive $0xFFFF  }
0x6d: {  	_ =	shalt  }

</sc_bundles>
